<compile_context>
chip_gen: v7x
topology: tpu7x:2x2x1
jax: 0.10.2.dev20260603
libtpu: 0.0.44.dev20260713+nightly
codegen_flags: <defaults>
</compile_context>

<pallas_src>
import jax
import jax.numpy as jnp
from jax import lax
from jax.experimental import pallas as pl
from jax.experimental.pallas import tpu as pltpu
from jax.experimental.pallas import tpu_sc as plsc

_VOCAB = 38462
_VMAIN = 38464
_VBUF = _VMAIN + 8
_NF = 26
_B = 16384
_NC, _NS, _L = 2, 16, 16
_BPH = _B // _NC
_BPT = _BPH // _NS
_ROWS = _BPH // 128


def _sc_body(idx_hbm, tab_hbm, out_hbm,
             subt0, subt1, slab0, slab1, part_v, red_v, res_v,
             sh_part, sem_t0, sem_t1, sem_s0, sem_s1, sem_r):
    s = lax.axis_index("s")
    h = lax.axis_index("c")

    f0 = s
    f1 = s + _NS
    has2 = f1 < _NF

    start0 = (f0 * _VOCAB) // 8 * 8
    slack0 = f0 * _VOCAB - start0
    cp_t0 = pltpu.async_copy(
        tab_hbm.at[pl.ds(start0, _VMAIN)], subt0.at[pl.ds(0, _VMAIN)], sem_t0)
    cp_t0b = pltpu.async_copy(
        tab_hbm.at[pl.ds(start0 + _VMAIN, 8)], subt0.at[pl.ds(_VMAIN, 8)],
        sem_t0)
    cp_s0 = pltpu.async_copy(
        idx_hbm.at[pl.ds(f0 * _B + h * _BPH, _BPH)], slab0, sem_s0)

    @pl.when(has2)
    def _():
        start1 = (f1 * _VOCAB) // 8 * 8
        pltpu.async_copy(
            tab_hbm.at[pl.ds(start1, _VMAIN)], subt1.at[pl.ds(0, _VMAIN)],
            sem_t1).wait()
        pltpu.async_copy(
            tab_hbm.at[pl.ds(start1 + _VMAIN, 8)], subt1.at[pl.ds(_VMAIN, 8)],
            sem_t1).wait()
        pltpu.async_copy(
            idx_hbm.at[pl.ds(f1 * _B + h * _BPH, _BPH)], slab1,
            sem_s1).wait()

    cp_t0.wait()
    cp_t0b.wait()
    cp_s0.wait()

    def acc0(c, carry):
        ids = slab0[pl.ds(c * _L, _L)] + slack0
        part_v[pl.ds(c * _L, _L)] = plsc.load_gather(subt0, [ids])
        return carry

    lax.fori_loop(0, _BPH // _L, acc0, 0)

    @pl.when(has2)
    def _():
        slack1 = f1 * _VOCAB - (f1 * _VOCAB) // 8 * 8

        def acc1(c, carry):
            ids = slab1[pl.ds(c * _L, _L)] + slack1
            part_v[pl.ds(c * _L, _L)] = (
                part_v[pl.ds(c * _L, _L)] + plsc.load_gather(subt1, [ids]))
            return carry

        lax.fori_loop(0, _BPH // _L, acc1, 0)

    pltpu.sync_copy(part_v, sh_part.at[pl.ds(s * _BPH, _BPH)])
    plsc.subcore_barrier()
    reads = []
    for t in range(_NS):
        reads.append(pltpu.async_copy(
            sh_part.at[pl.ds(t * _BPH + s * _BPT, _BPT)], red_v.at[t], sem_r))
    for cp in reads:
        cp.wait()

    def red(c, carry):
        acc = red_v[0, pl.ds(c * _L, _L)]
        for t in range(1, _NS):
            acc = acc + red_v[t, pl.ds(c * _L, _L)]
        res_v[pl.ds(c * _L, _L)] = acc
        return carry

    lax.fori_loop(0, _BPT // _L, red, 0)
    pltpu.sync_copy(res_v, out_hbm.at[pl.ds(h * _BPH + s * _BPT, _BPT)])


_sc_call = pl.kernel(
    _sc_body,
    out_type=jax.ShapeDtypeStruct((_B,), jnp.float32),
    mesh=plsc.VectorSubcoreMesh(
        core_axis_name="c", subcore_axis_name="s",
        num_cores=_NC, num_subcores=_NS,
    ),
    scratch_types=[
        pltpu.VMEM((_VBUF,), jnp.float32),
        pltpu.VMEM((_VBUF,), jnp.float32),
        pltpu.VMEM((_BPH,), jnp.int32),
        pltpu.VMEM((_BPH,), jnp.int32),
        pltpu.VMEM((_BPH,), jnp.float32),
        pltpu.VMEM((_NS, _BPT), jnp.float32),
        pltpu.VMEM((_BPT,), jnp.float32),
        pltpu.VMEM_SHARED((_NS * _BPH,), jnp.float32),
        pltpu.SemaphoreType.DMA,
        pltpu.SemaphoreType.DMA,
        pltpu.SemaphoreType.DMA,
        pltpu.SemaphoreType.DMA,
        pltpu.SemaphoreType.DMA,
    ],
    compiler_params=pltpu.CompilerParams(needs_layout_passes=False),
)


def kernel(data, table, bias):
    dpack = data.astype(jnp.int32).T.reshape(_NF, 128, 128)
    dflat = dpack.reshape(_NF * _B)
    tabf = table.reshape(-1)
    out = _sc_call(dflat, tabf)
    return out.reshape(_B, 1) + bias

# --- scband reference (transcript-rebuilt; emitter-appended) ---
"""Pipeline reference for scband-feature-embedding-sum-2602750182082 (READ-ONLY COPY).

The authoritative reference and input builder live on the scoring server;
editing this copy changes nothing except your own understanding.
"""

import jax, jax.numpy as jnp
import numpy as np

FEATURE_DIMS = [38462] * 26
TOTAL_VOCAB = int(sum(FEATURE_DIMS))
BATCH = 16384
OUT_DIM = 1


def setup_inputs(seed: int = 0) -> dict:
    key = jax.random.key(seed)
    k1, k2 = jax.random.split(key, 2)
    data = jax.random.randint(k1, (BATCH, len(FEATURE_DIMS)), 0, FEATURE_DIMS[0], dtype=jnp.int32)
    table = jax.random.normal(k2, (TOTAL_VOCAB, OUT_DIM), dtype=jnp.float32) * 0.01
    bias = jnp.zeros((OUT_DIM,), dtype=jnp.float32)
    return {"data": data, "table": table, "bias": bias}


def reference(data, table, bias):
    # offset per field: [0, cumsum(feature_dims)[:-1]] (constant, int)
    offset = jnp.asarray(np.concatenate([[0], np.cumsum(FEATURE_DIMS)[:-1]]), dtype=data.dtype)
    idx = data + offset[None, :]                 # [B, F]
    emb = jnp.take(table, idx, axis=0)           # [B, F, out_dim] gather
    out = jnp.sum(emb, axis=1) + bias            # [B, out_dim]
    return out

if __name__ == "__main__":
    import jax
    _d = setup_inputs()
    print(jax.jit(kernel)(*tuple(_d.values())))

</pallas_src>

<mosaic_0001>
#map = affine_map<(d0, d1) -> (0)>
module attributes {stable_mosaic.version = 14 : i64} {
  func.func @_sc_body(%arg0: i32, %arg1: i32, %arg2: memref<425984xi32, #tpu.memory_space<hbm>>, %arg3: memref<1000012xf32, #tpu.memory_space<hbm>>, %arg4: memref<16384xf32, #tpu.memory_space<hbm>>, %arg5: memref<38472xf32, #tpu.memory_space<vmem>>, %arg6: memref<38472xf32, #tpu.memory_space<vmem>>, %arg7: memref<8192xi32, #tpu.memory_space<vmem>>, %arg8: memref<8192xi32, #tpu.memory_space<vmem>>, %arg9: memref<8192xf32, #tpu.memory_space<vmem>>, %arg10: memref<16x512xf32, #tpu.memory_space<vmem>>, %arg11: memref<512xf32, #tpu.memory_space<vmem>>, %arg12: memref<131072xf32, #tpu.memory_space<vmem_shared>>, %arg13: memref<!tpu.dma_semaphore, #tpu.memory_space<semaphore_mem>>, %arg14: memref<!tpu.dma_semaphore, #tpu.memory_space<semaphore_mem>>, %arg15: memref<!tpu.dma_semaphore, #tpu.memory_space<semaphore_mem>>, %arg16: memref<!tpu.dma_semaphore, #tpu.memory_space<semaphore_mem>>, %arg17: memref<!tpu.dma_semaphore, #tpu.memory_space<semaphore_mem>>) attributes {dimension_semantics = [#tpu.dimension_semantics<core_parallel>, #tpu.dimension_semantics<subcore_parallel>], iteration_bounds = array<i64: 2, 16>, scalar_prefetch = 0 : i64, scratch_operands = 13 : i64, tpu.core_type = #tpu.core_type<sc_vector_subcore>, window_params = [{transform_indices = #map}, {transform_indices = #map}, {transform_indices = #map}]} {
    %add3A = arith.constant 16 : i32
    %add3A_0 = arith.addi %arg1, %add3A : i32
    %lt3A = arith.constant 26 : i32
    %lt3A_1 = arith.cmpi slt, %add3A_0, %lt3A : i32
    %mul3A = arith.constant 38462 : i32
    %mul3A_2 = arith.muli %arg1, %mul3A : i32
    %jit3A = arith.constant 8 : i32
    %div3A = arith.divsi %mul3A_2, %jit3A : i32
    %sign3A = arith.constant 0 : i32
    %sign3A_3 = arith.cmpi sgt, %mul3A_2, %sign3A : i32
    %sign3A_4 = arith.extui %sign3A_3 : i1 to i32
    %sign3A_5 = arith.constant 0 : i32
    %sign3A_6 = arith.cmpi slt, %mul3A_2, %sign3A_5 : i32
    %sign3A_7 = arith.extui %sign3A_6 : i1 to i32
    %sign3A_8 = arith.subi %sign3A_4, %sign3A_7 : i32
    %sign3A_9 = arith.constant 0 : i32
    %sign3A_10 = arith.cmpi sgt, %jit3A, %sign3A_9 : i32
    %sign3A_11 = arith.extui %sign3A_10 : i1 to i32
    %sign3A_12 = arith.constant 0 : i32
    %sign3A_13 = arith.cmpi slt, %jit3A, %sign3A_12 : i32
    %sign3A_14 = arith.extui %sign3A_13 : i1 to i32
    %sign3A_15 = arith.subi %sign3A_11, %sign3A_14 : i32
    %ne3A = arith.cmpi ne, %sign3A_8, %sign3A_15 : i32
    %rem3A = arith.remsi %mul3A_2, %jit3A : i32
    %ne3A_16 = arith.constant 0 : i32
    %ne3A_17 = arith.cmpi ne, %rem3A, %ne3A_16 : i32
    %and3A = arith.andi %ne3A, %ne3A_17 : i1
    %sub3A = arith.constant 1 : i32
    %sub3A_18 = arith.subi %div3A, %sub3A : i32
    %select_n3A = arith.select %and3A, %sub3A_18, %div3A : i32
    %mul3A_19 = arith.constant 8 : i32
    %mul3A_20 = arith.muli %select_n3A, %mul3A_19 : i32
    %mul3A_21 = arith.constant 38462 : i32
    %mul3A_22 = arith.muli %arg1, %mul3A_21 : i32
    %sub3A_23 = arith.subi %mul3A_22, %mul3A_20 : i32
    %dma_start3A = arith.constant 0 : i32
    %dma_start3A_24 = tpu.memref_slice %arg5[%dma_start3A] : memref<38472xf32, #tpu.memory_space<vmem>> -> memref<38464xf32, #tpu.memory_space<vmem>>
    %dma_start3A_25 = tpu.memref_slice %arg3[%mul3A_20] : memref<1000012xf32, #tpu.memory_space<hbm>> -> memref<38464xf32, #tpu.memory_space<hbm>>
    %dma_start3A_26 = arith.constant 0 : i32
    %dma_start3A_27 = tpu.memref_slice %arg5[%dma_start3A_26] : memref<38472xf32, #tpu.memory_space<vmem>> -> memref<38464xf32, #tpu.memory_space<vmem>>
    %dma_start3A_28 = tpu.memref_slice %arg3[%mul3A_20] : memref<1000012xf32, #tpu.memory_space<hbm>> -> memref<38464xf32, #tpu.memory_space<hbm>>
    tpu.enqueue_dma source(%dma_start3A_28 : memref<38464xf32, #tpu.memory_space<hbm>>) target(%dma_start3A_27 : memref<38464xf32, #tpu.memory_space<vmem>>) target_semaphore(%arg13 : memref<!tpu.dma_semaphore, #tpu.memory_space<semaphore_mem>>)
    %add3A_29 = arith.constant 38464 : i32
    %add3A_30 = arith.addi %mul3A_20, %add3A_29 : i32
    %dma_start3A_31 = arith.constant 38464 : i32
    %dma_start3A_32 = tpu.memref_slice %arg5[%dma_start3A_31] : memref<38472xf32, #tpu.memory_space<vmem>> -> memref<8xf32, #tpu.memory_space<vmem>>
    %dma_start3A_33 = tpu.memref_slice %arg3[%add3A_30] : memref<1000012xf32, #tpu.memory_space<hbm>> -> memref<8xf32, #tpu.memory_space<hbm>>
    %dma_start3A_34 = arith.constant 38464 : i32
    %dma_start3A_35 = tpu.memref_slice %arg5[%dma_start3A_34] : memref<38472xf32, #tpu.memory_space<vmem>> -> memref<8xf32, #tpu.memory_space<vmem>>
    %dma_start3A_36 = tpu.memref_slice %arg3[%add3A_30] : memref<1000012xf32, #tpu.memory_space<hbm>> -> memref<8xf32, #tpu.memory_space<hbm>>
    tpu.enqueue_dma source(%dma_start3A_36 : memref<8xf32, #tpu.memory_space<hbm>>) target(%dma_start3A_35 : memref<8xf32, #tpu.memory_space<vmem>>) target_semaphore(%arg13 : memref<!tpu.dma_semaphore, #tpu.memory_space<semaphore_mem>>)
    %mul3A_37 = arith.constant 16384 : i32
    %mul3A_38 = arith.muli %arg1, %mul3A_37 : i32
    %mul3A_39 = arith.constant 8192 : i32
    %mul3A_40 = arith.muli %arg0, %mul3A_39 : i32
    %add3A_41 = arith.addi %mul3A_38, %mul3A_40 : i32
    %dma_start3A_42 = tpu.memref_slice %arg2[%add3A_41] : memref<425984xi32, #tpu.memory_space<hbm>> -> memref<8192xi32, #tpu.memory_space<hbm>>
    %dma_start3A_43 = tpu.memref_slice %arg2[%add3A_41] : memref<425984xi32, #tpu.memory_space<hbm>> -> memref<8192xi32, #tpu.memory_space<hbm>>
    tpu.enqueue_dma source(%dma_start3A_43 : memref<8192xi32, #tpu.memory_space<hbm>>) target(%arg7 : memref<8192xi32, #tpu.memory_space<vmem>>) target_semaphore(%arg15 : memref<!tpu.dma_semaphore, #tpu.memory_space<semaphore_mem>>)
    %convert_element_type3A = arith.extui %lt3A_1 : i1 to i32
    %cond3A = arith.constant 0 : i32
    %cond3A_44 = arith.cmpi ne, %convert_element_type3A, %cond3A : i32
    scf.if %cond3A_44 {
      %mul3A_431 = arith.constant 38462 : i32
      %mul3A_432 = arith.muli %add3A_0, %mul3A_431 : i32
      %jit3A_433 = arith.constant 8 : i32
      %div3A_434 = arith.divsi %mul3A_432, %jit3A_433 : i32
      %sign3A_435 = arith.constant 0 : i32
      %sign3A_436 = arith.cmpi sgt, %mul3A_432, %sign3A_435 : i32
      %sign3A_437 = arith.extui %sign3A_436 : i1 to i32
      %sign3A_438 = arith.constant 0 : i32
      %sign3A_439 = arith.cmpi slt, %mul3A_432, %sign3A_438 : i32
      %sign3A_440 = arith.extui %sign3A_439 : i1 to i32
      %sign3A_441 = arith.subi %sign3A_437, %sign3A_440 : i32
      %sign3A_442 = arith.constant 0 : i32
      %sign3A_443 = arith.cmpi sgt, %jit3A_433, %sign3A_442 : i32
      %sign3A_444 = arith.extui %sign3A_443 : i1 to i32
      %sign3A_445 = arith.constant 0 : i32
      %sign3A_446 = arith.cmpi slt, %jit3A_433, %sign3A_445 : i32
      %sign3A_447 = arith.extui %sign3A_446 : i1 to i32
      %sign3A_448 = arith.subi %sign3A_444, %sign3A_447 : i32
      %ne3A_449 = arith.cmpi ne, %sign3A_441, %sign3A_448 : i32
      %rem3A_450 = arith.remsi %mul3A_432, %jit3A_433 : i32
      %ne3A_451 = arith.constant 0 : i32
      %ne3A_452 = arith.cmpi ne, %rem3A_450, %ne3A_451 : i32
      %and3A_453 = arith.andi %ne3A_449, %ne3A_452 : i1
      %sub3A_454 = arith.constant 1 : i32
      %sub3A_455 = arith.subi %div3A_434, %sub3A_454 : i32
      %select_n3A_456 = arith.select %and3A_453, %sub3A_455, %div3A_434 : i32
      %mul3A_457 = arith.constant 8 : i32
      %mul3A_458 = arith.muli %select_n3A_456, %mul3A_457 : i32
      %dma_start3A_459 = arith.constant 0 : i32
      %dma_start3A_460 = tpu.memref_slice %arg6[%dma_start3A_459] : memref<38472xf32, #tpu.memory_space<vmem>> -> memref<38464xf32, #tpu.memory_space<vmem>>
      %dma_start3A_461 = tpu.memref_slice %arg3[%mul3A_458] : memref<1000012xf32, #tpu.memory_space<hbm>> -> memref<38464xf32, #tpu.memory_space<hbm>>
      %dma_start3A_462 = arith.constant 0 : i32
      %dma_start3A_463 = tpu.memref_slice %arg6[%dma_start3A_462] : memref<38472xf32, #tpu.memory_space<vmem>> -> memref<38464xf32, #tpu.memory_space<vmem>>
      %dma_start3A_464 = tpu.memref_slice %arg3[%mul3A_458] : memref<1000012xf32, #tpu.memory_space<hbm>> -> memref<38464xf32, #tpu.memory_space<hbm>>
      tpu.enqueue_dma source(%dma_start3A_464 : memref<38464xf32, #tpu.memory_space<hbm>>) target(%dma_start3A_463 : memref<38464xf32, #tpu.memory_space<vmem>>) target_semaphore(%arg14 : memref<!tpu.dma_semaphore, #tpu.memory_space<semaphore_mem>>)
      %dma_wait3A_465 = arith.constant 0 : i32
      %dma_wait3A_466 = tpu.memref_slice %arg6[%dma_wait3A_465] : memref<38472xf32, #tpu.memory_space<vmem>> -> memref<38464xf32, #tpu.memory_space<vmem>>
      %dma_wait3A_467 = tpu.memref_slice %arg3[%mul3A_458] : memref<1000012xf32, #tpu.memory_space<hbm>> -> memref<38464xf32, #tpu.memory_space<hbm>>
      %dma_wait3A_468 = arith.constant 0 : i32
      %dma_wait3A_469 = tpu.memref_slice %arg6[%dma_wait3A_468] : memref<38472xf32, #tpu.memory_space<vmem>> -> memref<38464xf32, #tpu.memory_space<vmem>>
      %dma_wait3A_470 = tpu.memref_slice %arg3[%mul3A_458] : memref<1000012xf32, #tpu.memory_space<hbm>> -> memref<38464xf32, #tpu.memory_space<hbm>>
      tpu.wait_dma2 semaphore(%arg14 : memref<!tpu.dma_semaphore, #tpu.memory_space<semaphore_mem>>) src(%dma_wait3A_470 : memref<38464xf32, #tpu.memory_space<hbm>>) dst(%dma_wait3A_469 : memref<38464xf32, #tpu.memory_space<vmem>>)
      %add3A_471 = arith.constant 38464 : i32
      %add3A_472 = arith.addi %mul3A_458, %add3A_471 : i32
      %dma_start3A_473 = arith.constant 38464 : i32
      %dma_start3A_474 = tpu.memref_slice %arg6[%dma_start3A_473] : memref<38472xf32, #tpu.memory_space<vmem>> -> memref<8xf32, #tpu.memory_space<vmem>>
      %dma_start3A_475 = tpu.memref_slice %arg3[%add3A_472] : memref<1000012xf32, #tpu.memory_space<hbm>> -> memref<8xf32, #tpu.memory_space<hbm>>
      %dma_start3A_476 = arith.constant 38464 : i32
      %dma_start3A_477 = tpu.memref_slice %arg6[%dma_start3A_476] : memref<38472xf32, #tpu.memory_space<vmem>> -> memref<8xf32, #tpu.memory_space<vmem>>
      %dma_start3A_478 = tpu.memref_slice %arg3[%add3A_472] : memref<1000012xf32, #tpu.memory_space<hbm>> -> memref<8xf32, #tpu.memory_space<hbm>>
      tpu.enqueue_dma source(%dma_start3A_478 : memref<8xf32, #tpu.memory_space<hbm>>) target(%dma_start3A_477 : memref<8xf32, #tpu.memory_space<vmem>>) target_semaphore(%arg14 : memref<!tpu.dma_semaphore, #tpu.memory_space<semaphore_mem>>)
      %dma_wait3A_479 = arith.constant 38464 : i32
      %dma_wait3A_480 = tpu.memref_slice %arg6[%dma_wait3A_479] : memref<38472xf32, #tpu.memory_space<vmem>> -> memref<8xf32, #tpu.memory_space<vmem>>
      %dma_wait3A_481 = tpu.memref_slice %arg3[%add3A_472] : memref<1000012xf32, #tpu.memory_space<hbm>> -> memref<8xf32, #tpu.memory_space<hbm>>
      %dma_wait3A_482 = arith.constant 38464 : i32
      %dma_wait3A_483 = tpu.memref_slice %arg6[%dma_wait3A_482] : memref<38472xf32, #tpu.memory_space<vmem>> -> memref<8xf32, #tpu.memory_space<vmem>>
      %dma_wait3A_484 = tpu.memref_slice %arg3[%add3A_472] : memref<1000012xf32, #tpu.memory_space<hbm>> -> memref<8xf32, #tpu.memory_space<hbm>>
      tpu.wait_dma2 semaphore(%arg14 : memref<!tpu.dma_semaphore, #tpu.memory_space<semaphore_mem>>) src(%dma_wait3A_484 : memref<8xf32, #tpu.memory_space<hbm>>) dst(%dma_wait3A_483 : memref<8xf32, #tpu.memory_space<vmem>>)
      %mul3A_485 = arith.constant 16384 : i32
      %mul3A_486 = arith.muli %add3A_0, %mul3A_485 : i32
      %mul3A_487 = arith.constant 8192 : i32
      %mul3A_488 = arith.muli %arg0, %mul3A_487 : i32
      %add3A_489 = arith.addi %mul3A_486, %mul3A_488 : i32
      %dma_start3A_490 = tpu.memref_slice %arg2[%add3A_489] : memref<425984xi32, #tpu.memory_space<hbm>> -> memref<8192xi32, #tpu.memory_space<hbm>>
      %dma_start3A_491 = tpu.memref_slice %arg2[%add3A_489] : memref<425984xi32, #tpu.memory_space<hbm>> -> memref<8192xi32, #tpu.memory_space<hbm>>
      tpu.enqueue_dma source(%dma_start3A_491 : memref<8192xi32, #tpu.memory_space<hbm>>) target(%arg8 : memref<8192xi32, #tpu.memory_space<vmem>>) target_semaphore(%arg16 : memref<!tpu.dma_semaphore, #tpu.memory_space<semaphore_mem>>)
      %dma_wait3A_492 = tpu.memref_slice %arg2[%add3A_489] : memref<425984xi32, #tpu.memory_space<hbm>> -> memref<8192xi32, #tpu.memory_space<hbm>>
      %dma_wait3A_493 = tpu.memref_slice %arg2[%add3A_489] : memref<425984xi32, #tpu.memory_space<hbm>> -> memref<8192xi32, #tpu.memory_space<hbm>>
      tpu.wait_dma2 semaphore(%arg16 : memref<!tpu.dma_semaphore, #tpu.memory_space<semaphore_mem>>) src(%dma_wait3A_493 : memref<8192xi32, #tpu.memory_space<hbm>>) dst(%arg8 : memref<8192xi32, #tpu.memory_space<vmem>>)
    } else {
    }
    %dma_wait3A = arith.constant 0 : i32
    %dma_wait3A_45 = tpu.memref_slice %arg5[%dma_wait3A] : memref<38472xf32, #tpu.memory_space<vmem>> -> memref<38464xf32, #tpu.memory_space<vmem>>
    %dma_wait3A_46 = tpu.memref_slice %arg3[%mul3A_20] : memref<1000012xf32, #tpu.memory_space<hbm>> -> memref<38464xf32, #tpu.memory_space<hbm>>
    %dma_wait3A_47 = arith.constant 0 : i32
    %dma_wait3A_48 = tpu.memref_slice %arg5[%dma_wait3A_47] : memref<38472xf32, #tpu.memory_space<vmem>> -> memref<38464xf32, #tpu.memory_space<vmem>>
    %dma_wait3A_49 = tpu.memref_slice %arg3[%mul3A_20] : memref<1000012xf32, #tpu.memory_space<hbm>> -> memref<38464xf32, #tpu.memory_space<hbm>>
    tpu.wait_dma2 semaphore(%arg13 : memref<!tpu.dma_semaphore, #tpu.memory_space<semaphore_mem>>) src(%dma_wait3A_49 : memref<38464xf32, #tpu.memory_space<hbm>>) dst(%dma_wait3A_48 : memref<38464xf32, #tpu.memory_space<vmem>>)
    %dma_wait3A_50 = arith.constant 38464 : i32
    %dma_wait3A_51 = tpu.memref_slice %arg5[%dma_wait3A_50] : memref<38472xf32, #tpu.memory_space<vmem>> -> memref<8xf32, #tpu.memory_space<vmem>>
    %dma_wait3A_52 = tpu.memref_slice %arg3[%add3A_30] : memref<1000012xf32, #tpu.memory_space<hbm>> -> memref<8xf32, #tpu.memory_space<hbm>>
    %dma_wait3A_53 = arith.constant 38464 : i32
    %dma_wait3A_54 = tpu.memref_slice %arg5[%dma_wait3A_53] : memref<38472xf32, #tpu.memory_space<vmem>> -> memref<8xf32, #tpu.memory_space<vmem>>
    %dma_wait3A_55 = tpu.memref_slice %arg3[%add3A_30] : memref<1000012xf32, #tpu.memory_space<hbm>> -> memref<8xf32, #tpu.memory_space<hbm>>
    tpu.wait_dma2 semaphore(%arg13 : memref<!tpu.dma_semaphore, #tpu.memory_space<semaphore_mem>>) src(%dma_wait3A_55 : memref<8xf32, #tpu.memory_space<hbm>>) dst(%dma_wait3A_54 : memref<8xf32, #tpu.memory_space<vmem>>)
    %dma_wait3A_56 = tpu.memref_slice %arg2[%add3A_41] : memref<425984xi32, #tpu.memory_space<hbm>> -> memref<8192xi32, #tpu.memory_space<hbm>>
    %dma_wait3A_57 = tpu.memref_slice %arg2[%add3A_41] : memref<425984xi32, #tpu.memory_space<hbm>> -> memref<8192xi32, #tpu.memory_space<hbm>>
    tpu.wait_dma2 semaphore(%arg15 : memref<!tpu.dma_semaphore, #tpu.memory_space<semaphore_mem>>) src(%dma_wait3A_57 : memref<8192xi32, #tpu.memory_space<hbm>>) dst(%arg7 : memref<8192xi32, #tpu.memory_space<vmem>>)
    %scan3A = arith.constant 0 : i32
    %scan3A_58 = arith.constant 0 : i32
    %scan3A_59 = arith.constant 512 : i32
    %scan3A_60 = arith.addi %scan3A_58, %scan3A_59 : i32
    %scan3A_61 = arith.constant 1 : i32
    scf.for %scan3A_431 = %scan3A_58 to %scan3A_60 step %scan3A_61  : i32 {
      %mul3A_432 = arith.constant 16 : i32
      %mul3A_433 = arith.muli %scan3A_431, %mul3A_432 : i32
      %get3A = arith.index_cast %mul3A_433 : i32 to index
      %get3A_434 = tpu.vector_load %arg7[%get3A] {strides = array<i32>} : memref<8192xi32, #tpu.memory_space<vmem>>, vector<16xi32>,
      %add3A_435 = vector.broadcast %sub3A_23 : i32 to vector<16xi32>
      %add3A_436 = arith.addi %get3A_434, %add3A_435 : vector<16xi32>
      %gather3A = tpu.vector_load_idx %arg5[%add3A_436] : memref<38472xf32, #tpu.memory_space<vmem>>[vector<16xi32>], vector<16xf32>,
      %mul3A_437 = arith.constant 16 : i32
      %mul3A_438 = arith.muli %scan3A_431, %mul3A_437 : i32
      %swap3A = arith.index_cast %mul3A_438 : i32 to index
      %swap3A_439 = tpu.vector_load %arg9[%swap3A] {strides = array<i32>} : memref<8192xf32, #tpu.memory_space<vmem>>, vector<16xf32>,
      tpu.vector_store %arg9[%swap3A], %gather3A {strides = array<i32>} : memref<8192xf32, #tpu.memory_space<vmem>>, vector<16xf32>,
    }
    %scan3A_62 = arith.constant 512 : i32
    %convert_element_type3A_63 = arith.extui %lt3A_1 : i1 to i32
    %cond3A_64 = arith.constant 0 : i32
    %cond3A_65 = arith.cmpi ne, %convert_element_type3A_63, %cond3A_64 : i32
    scf.if %cond3A_65 {
      %mul3A_431 = arith.constant 38462 : i32
      %mul3A_432 = arith.muli %add3A_0, %mul3A_431 : i32
      %mul3A_433 = arith.constant 38462 : i32
      %mul3A_434 = arith.muli %add3A_0, %mul3A_433 : i32
      %jit3A_435 = arith.constant 8 : i32
      %div3A_436 = arith.divsi %mul3A_434, %jit3A_435 : i32
      %sign3A_437 = arith.constant 0 : i32
      %sign3A_438 = arith.cmpi sgt, %mul3A_434, %sign3A_437 : i32
      %sign3A_439 = arith.extui %sign3A_438 : i1 to i32
      %sign3A_440 = arith.constant 0 : i32
      %sign3A_441 = arith.cmpi slt, %mul3A_434, %sign3A_440 : i32
      %sign3A_442 = arith.extui %sign3A_441 : i1 to i32
      %sign3A_443 = arith.subi %sign3A_439, %sign3A_442 : i32
      %sign3A_444 = arith.constant 0 : i32
      %sign3A_445 = arith.cmpi sgt, %jit3A_435, %sign3A_444 : i32
      %sign3A_446 = arith.extui %sign3A_445 : i1 to i32
      %sign3A_447 = arith.constant 0 : i32
      %sign3A_448 = arith.cmpi slt, %jit3A_435, %sign3A_447 : i32
      %sign3A_449 = arith.extui %sign3A_448 : i1 to i32
      %sign3A_450 = arith.subi %sign3A_446, %sign3A_449 : i32
      %ne3A_451 = arith.cmpi ne, %sign3A_443, %sign3A_450 : i32
      %rem3A_452 = arith.remsi %mul3A_434, %jit3A_435 : i32
      %ne3A_453 = arith.constant 0 : i32
      %ne3A_454 = arith.cmpi ne, %rem3A_452, %ne3A_453 : i32
      %and3A_455 = arith.andi %ne3A_451, %ne3A_454 : i1
      %sub3A_456 = arith.constant 1 : i32
      %sub3A_457 = arith.subi %div3A_436, %sub3A_456 : i32
      %select_n3A_458 = arith.select %and3A_455, %sub3A_457, %div3A_436 : i32
      %mul3A_459 = arith.constant 8 : i32
      %mul3A_460 = arith.muli %select_n3A_458, %mul3A_459 : i32
      %sub3A_461 = arith.subi %mul3A_432, %mul3A_460 : i32
      %scan3A_462 = arith.constant 0 : i32
      %scan3A_463 = arith.constant 0 : i32
      %scan3A_464 = arith.constant 512 : i32
      %scan3A_465 = arith.addi %scan3A_463, %scan3A_464 : i32
      %scan3A_466 = arith.constant 1 : i32
      scf.for %scan3A_468 = %scan3A_463 to %scan3A_465 step %scan3A_466  : i32 {
        %mul3A_469 = arith.constant 16 : i32
        %mul3A_470 = arith.muli %scan3A_468, %mul3A_469 : i32
        %get3A = arith.index_cast %mul3A_470 : i32 to index
        %get3A_471 = tpu.vector_load %arg8[%get3A] {strides = array<i32>} : memref<8192xi32, #tpu.memory_space<vmem>>, vector<16xi32>,
        %add3A_472 = vector.broadcast %sub3A_461 : i32 to vector<16xi32>
        %add3A_473 = arith.addi %get3A_471, %add3A_472 : vector<16xi32>
        %mul3A_474 = arith.constant 16 : i32
        %mul3A_475 = arith.muli %scan3A_468, %mul3A_474 : i32
        %get3A_476 = arith.index_cast %mul3A_475 : i32 to index
        %get3A_477 = tpu.vector_load %arg9[%get3A_476] {strides = array<i32>} : memref<8192xf32, #tpu.memory_space<vmem>>, vector<16xf32>,
        %gather3A = tpu.vector_load_idx %arg6[%add3A_473] : memref<38472xf32, #tpu.memory_space<vmem>>[vector<16xi32>], vector<16xf32>,
        %add3A_478 = arith.addf %get3A_477, %gather3A : vector<16xf32>
        %mul3A_479 = arith.constant 16 : i32
        %mul3A_480 = arith.muli %scan3A_468, %mul3A_479 : i32
        %swap3A = arith.index_cast %mul3A_480 : i32 to index
        %swap3A_481 = tpu.vector_load %arg9[%swap3A] {strides = array<i32>} : memref<8192xf32, #tpu.memory_space<vmem>>, vector<16xf32>,
        tpu.vector_store %arg9[%swap3A], %add3A_478 {strides = array<i32>} : memref<8192xf32, #tpu.memory_space<vmem>>, vector<16xf32>,
      }
      %scan3A_467 = arith.constant 512 : i32
    } else {
    }
    %mul3A_66 = arith.constant 8192 : i32
    %mul3A_67 = arith.muli %arg1, %mul3A_66 : i32
    "tpu.region"() ({
      %run_scoped3A = tpu.sem_alloc : memref<!tpu.dma_semaphore, #tpu.memory_space<semaphore_mem>>
      %dma_start3A_431 = tpu.memref_slice %arg12[%mul3A_67] : memref<131072xf32, #tpu.memory_space<vmem_shared>> -> memref<8192xf32, #tpu.memory_space<vmem_shared>>
      %dma_start3A_432 = tpu.memref_slice %arg12[%mul3A_67] : memref<131072xf32, #tpu.memory_space<vmem_shared>> -> memref<8192xf32, #tpu.memory_space<vmem_shared>>
      tpu.enqueue_dma source(%arg9 : memref<8192xf32, #tpu.memory_space<vmem>>) target(%dma_start3A_432 : memref<8192xf32, #tpu.memory_space<vmem_shared>>) target_semaphore(%run_scoped3A : memref<!tpu.dma_semaphore, #tpu.memory_space<semaphore_mem>>)
      %dma_wait3A_433 = tpu.memref_slice %arg12[%mul3A_67] : memref<131072xf32, #tpu.memory_space<vmem_shared>> -> memref<8192xf32, #tpu.memory_space<vmem_shared>>
      %dma_wait3A_434 = tpu.memref_slice %arg12[%mul3A_67] : memref<131072xf32, #tpu.memory_space<vmem_shared>> -> memref<8192xf32, #tpu.memory_space<vmem_shared>>
      tpu.wait_dma2 semaphore(%run_scoped3A : memref<!tpu.dma_semaphore, #tpu.memory_space<semaphore_mem>>) src(%arg9 : memref<8192xf32, #tpu.memory_space<vmem>>) dst(%dma_wait3A_434 : memref<8192xf32, #tpu.memory_space<vmem_shared>>)
      tpu.yield
    }) : () -> ()
    %barrier3A = arith.constant 0 : index
    tpu.barrier barrier_id(%barrier3A)
    %mul3A_68 = arith.constant 512 : i32
    %mul3A_69 = arith.muli %arg1, %mul3A_68 : i32
    %add3A_70 = arith.constant 0 : i32
    %add3A_71 = arith.addi %add3A_70, %mul3A_69 : i32
    %dma_start3A_72 = arith.constant 0 : i32
    %dma_start3A_73 = arith.constant 0 : i32
    %dma_start3A_74 = tpu.memref_slice %arg10[%dma_start3A_72, %dma_start3A_73] : memref<16x512xf32, #tpu.memory_space<vmem>> -> memref<1x512xf32, #tpu.memory_space<vmem>>
    %dma_start3A_75 = tpu.memref_squeeze %dma_start3A_74 : memref<1x512xf32, #tpu.memory_space<vmem>> -> memref<512xf32, #tpu.memory_space<vmem>>
    %dma_start3A_76 = tpu.memref_slice %arg12[%add3A_71] : memref<131072xf32, #tpu.memory_space<vmem_shared>> -> memref<512xf32, #tpu.memory_space<vmem_shared>>
    %dma_start3A_77 = arith.constant 0 : i32
    %dma_start3A_78 = tpu.memref_slice %arg10[%dma_start3A_72, %dma_start3A_77] : memref<16x512xf32, #tpu.memory_space<vmem>> -> memref<1x512xf32, #tpu.memory_space<vmem>>
    %dma_start3A_79 = tpu.memref_squeeze %dma_start3A_78 : memref<1x512xf32, #tpu.memory_space<vmem>> -> memref<512xf32, #tpu.memory_space<vmem>>
    %dma_start3A_80 = tpu.memref_slice %arg12[%add3A_71] : memref<131072xf32, #tpu.memory_space<vmem_shared>> -> memref<512xf32, #tpu.memory_space<vmem_shared>>
    tpu.enqueue_dma source(%dma_start3A_80 : memref<512xf32, #tpu.memory_space<vmem_shared>>) target(%dma_start3A_79 : memref<512xf32, #tpu.memory_space<vmem>>) target_semaphore(%arg17 : memref<!tpu.dma_semaphore, #tpu.memory_space<semaphore_mem>>)
    %mul3A_81 = arith.constant 512 : i32
    %mul3A_82 = arith.muli %arg1, %mul3A_81 : i32
    %add3A_83 = arith.constant 8192 : i32
    %add3A_84 = arith.addi %add3A_83, %mul3A_82 : i32
    %dma_start3A_85 = arith.constant 1 : i32
    %dma_start3A_86 = arith.constant 0 : i32
    %dma_start3A_87 = tpu.memref_slice %arg10[%dma_start3A_85, %dma_start3A_86] : memref<16x512xf32, #tpu.memory_space<vmem>> -> memref<1x512xf32, #tpu.memory_space<vmem>>
    %dma_start3A_88 = tpu.memref_squeeze %dma_start3A_87 : memref<1x512xf32, #tpu.memory_space<vmem>> -> memref<512xf32, #tpu.memory_space<vmem>>
    %dma_start3A_89 = tpu.memref_slice %arg12[%add3A_84] : memref<131072xf32, #tpu.memory_space<vmem_shared>> -> memref<512xf32, #tpu.memory_space<vmem_shared>>
    %dma_start3A_90 = arith.constant 0 : i32
    %dma_start3A_91 = tpu.memref_slice %arg10[%dma_start3A_85, %dma_start3A_90] : memref<16x512xf32, #tpu.memory_space<vmem>> -> memref<1x512xf32, #tpu.memory_space<vmem>>
    %dma_start3A_92 = tpu.memref_squeeze %dma_start3A_91 : memref<1x512xf32, #tpu.memory_space<vmem>> -> memref<512xf32, #tpu.memory_space<vmem>>
    %dma_start3A_93 = tpu.memref_slice %arg12[%add3A_84] : memref<131072xf32, #tpu.memory_space<vmem_shared>> -> memref<512xf32, #tpu.memory_space<vmem_shared>>
    tpu.enqueue_dma source(%dma_start3A_93 : memref<512xf32, #tpu.memory_space<vmem_shared>>) target(%dma_start3A_92 : memref<512xf32, #tpu.memory_space<vmem>>) target_semaphore(%arg17 : memref<!tpu.dma_semaphore, #tpu.memory_space<semaphore_mem>>)
    %mul3A_94 = arith.constant 512 : i32
    %mul3A_95 = arith.muli %arg1, %mul3A_94 : i32
    %add3A_96 = arith.constant 16384 : i32
    %add3A_97 = arith.addi %add3A_96, %mul3A_95 : i32
    %dma_start3A_98 = arith.constant 2 : i32
    %dma_start3A_99 = arith.constant 0 : i32
    %dma_start3A_100 = tpu.memref_slice %arg10[%dma_start3A_98, %dma_start3A_99] : memref<16x512xf32, #tpu.memory_space<vmem>> -> memref<1x512xf32, #tpu.memory_space<vmem>>
    %dma_start3A_101 = tpu.memref_squeeze %dma_start3A_100 : memref<1x512xf32, #tpu.memory_space<vmem>> -> memref<512xf32, #tpu.memory_space<vmem>>
    %dma_start3A_102 = tpu.memref_slice %arg12[%add3A_97] : memref<131072xf32, #tpu.memory_space<vmem_shared>> -> memref<512xf32, #tpu.memory_space<vmem_shared>>
    %dma_start3A_103 = arith.constant 0 : i32
    %dma_start3A_104 = tpu.memref_slice %arg10[%dma_start3A_98, %dma_start3A_103] : memref<16x512xf32, #tpu.memory_space<vmem>> -> memref<1x512xf32, #tpu.memory_space<vmem>>
    %dma_start3A_105 = tpu.memref_squeeze %dma_start3A_104 : memref<1x512xf32, #tpu.memory_space<vmem>> -> memref<512xf32, #tpu.memory_space<vmem>>
    %dma_start3A_106 = tpu.memref_slice %arg12[%add3A_97] : memref<131072xf32, #tpu.memory_space<vmem_shared>> -> memref<512xf32, #tpu.memory_space<vmem_shared>>
    tpu.enqueue_dma source(%dma_start3A_106 : memref<512xf32, #tpu.memory_space<vmem_shared>>) target(%dma_start3A_105 : memref<512xf32, #tpu.memory_space<vmem>>) target_semaphore(%arg17 : memref<!tpu.dma_semaphore, #tpu.memory_space<semaphore_mem>>)
    %mul3A_107 = arith.constant 512 : i32
    %mul3A_108 = arith.muli %arg1, %mul3A_107 : i32
    %add3A_109 = arith.constant 24576 : i32
    %add3A_110 = arith.addi %add3A_109, %mul3A_108 : i32
    %dma_start3A_111 = arith.constant 3 : i32
    %dma_start3A_112 = arith.constant 0 : i32
    %dma_start3A_113 = tpu.memref_slice %arg10[%dma_start3A_111, %dma_start3A_112] : memref<16x512xf32, #tpu.memory_space<vmem>> -> memref<1x512xf32, #tpu.memory_space<vmem>>
    %dma_start3A_114 = tpu.memref_squeeze %dma_start3A_113 : memref<1x512xf32, #tpu.memory_space<vmem>> -> memref<512xf32, #tpu.memory_space<vmem>>
    %dma_start3A_115 = tpu.memref_slice %arg12[%add3A_110] : memref<131072xf32, #tpu.memory_space<vmem_shared>> -> memref<512xf32, #tpu.memory_space<vmem_shared>>
    %dma_start3A_116 = arith.constant 0 : i32
    %dma_start3A_117 = tpu.memref_slice %arg10[%dma_start3A_111, %dma_start3A_116] : memref<16x512xf32, #tpu.memory_space<vmem>> -> memref<1x512xf32, #tpu.memory_space<vmem>>
    %dma_start3A_118 = tpu.memref_squeeze %dma_start3A_117 : memref<1x512xf32, #tpu.memory_space<vmem>> -> memref<512xf32, #tpu.memory_space<vmem>>
    %dma_start3A_119 = tpu.memref_slice %arg12[%add3A_110] : memref<131072xf32, #tpu.memory_space<vmem_shared>> -> memref<512xf32, #tpu.memory_space<vmem_shared>>
    tpu.enqueue_dma source(%dma_start3A_119 : memref<512xf32, #tpu.memory_space<vmem_shared>>) target(%dma_start3A_118 : memref<512xf32, #tpu.memory_space<vmem>>) target_semaphore(%arg17 : memref<!tpu.dma_semaphore, #tpu.memory_space<semaphore_mem>>)
    %mul3A_120 = arith.constant 512 : i32
    %mul3A_121 = arith.muli %arg1, %mul3A_120 : i32
    %add3A_122 = arith.constant 32768 : i32
    %add3A_123 = arith.addi %add3A_122, %mul3A_121 : i32
    %dma_start3A_124 = arith.constant 4 : i32
    %dma_start3A_125 = arith.constant 0 : i32
    %dma_start3A_126 = tpu.memref_slice %arg10[%dma_start3A_124, %dma_start3A_125] : memref<16x512xf32, #tpu.memory_space<vmem>> -> memref<1x512xf32, #tpu.memory_space<vmem>>
    %dma_start3A_127 = tpu.memref_squeeze %dma_start3A_126 : memref<1x512xf32, #tpu.memory_space<vmem>> -> memref<512xf32, #tpu.memory_space<vmem>>
    %dma_start3A_128 = tpu.memref_slice %arg12[%add3A_123] : memref<131072xf32, #tpu.memory_space<vmem_shared>> -> memref<512xf32, #tpu.memory_space<vmem_shared>>
    %dma_start3A_129 = arith.constant 0 : i32
    %dma_start3A_130 = tpu.memref_slice %arg10[%dma_start3A_124, %dma_start3A_129] : memref<16x512xf32, #tpu.memory_space<vmem>> -> memref<1x512xf32, #tpu.memory_space<vmem>>
    %dma_start3A_131 = tpu.memref_squeeze %dma_start3A_130 : memref<1x512xf32, #tpu.memory_space<vmem>> -> memref<512xf32, #tpu.memory_space<vmem>>
    %dma_start3A_132 = tpu.memref_slice %arg12[%add3A_123] : memref<131072xf32, #tpu.memory_space<vmem_shared>> -> memref<512xf32, #tpu.memory_space<vmem_shared>>
    tpu.enqueue_dma source(%dma_start3A_132 : memref<512xf32, #tpu.memory_space<vmem_shared>>) target(%dma_start3A_131 : memref<512xf32, #tpu.memory_space<vmem>>) target_semaphore(%arg17 : memref<!tpu.dma_semaphore, #tpu.memory_space<semaphore_mem>>)
    %mul3A_133 = arith.constant 512 : i32
    %mul3A_134 = arith.muli %arg1, %mul3A_133 : i32
    %add3A_135 = arith.constant 40960 : i32
    %add3A_136 = arith.addi %add3A_135, %mul3A_134 : i32
    %dma_start3A_137 = arith.constant 5 : i32
    %dma_start3A_138 = arith.constant 0 : i32
    %dma_start3A_139 = tpu.memref_slice %arg10[%dma_start3A_137, %dma_start3A_138] : memref<16x512xf32, #tpu.memory_space<vmem>> -> memref<1x512xf32, #tpu.memory_space<vmem>>
    %dma_start3A_140 = tpu.memref_squeeze %dma_start3A_139 : memref<1x512xf32, #tpu.memory_space<vmem>> -> memref<512xf32, #tpu.memory_space<vmem>>
    %dma_start3A_141 = tpu.memref_slice %arg12[%add3A_136] : memref<131072xf32, #tpu.memory_space<vmem_shared>> -> memref<512xf32, #tpu.memory_space<vmem_shared>>
    %dma_start3A_142 = arith.constant 0 : i32
    %dma_start3A_143 = tpu.memref_slice %arg10[%dma_start3A_137, %dma_start3A_142] : memref<16x512xf32, #tpu.memory_space<vmem>> -> memref<1x512xf32, #tpu.memory_space<vmem>>
    %dma_start3A_144 = tpu.memref_squeeze %dma_start3A_143 : memref<1x512xf32, #tpu.memory_space<vmem>> -> memref<512xf32, #tpu.memory_space<vmem>>
    %dma_start3A_145 = tpu.memref_slice %arg12[%add3A_136] : memref<131072xf32, #tpu.memory_space<vmem_shared>> -> memref<512xf32, #tpu.memory_space<vmem_shared>>
    tpu.enqueue_dma source(%dma_start3A_145 : memref<512xf32, #tpu.memory_space<vmem_shared>>) target(%dma_start3A_144 : memref<512xf32, #tpu.memory_space<vmem>>) target_semaphore(%arg17 : memref<!tpu.dma_semaphore, #tpu.memory_space<semaphore_mem>>)
    %mul3A_146 = arith.constant 512 : i32
    %mul3A_147 = arith.muli %arg1, %mul3A_146 : i32
    %add3A_148 = arith.constant 49152 : i32
    %add3A_149 = arith.addi %add3A_148, %mul3A_147 : i32
    %dma_start3A_150 = arith.constant 6 : i32
    %dma_start3A_151 = arith.constant 0 : i32
    %dma_start3A_152 = tpu.memref_slice %arg10[%dma_start3A_150, %dma_start3A_151] : memref<16x512xf32, #tpu.memory_space<vmem>> -> memref<1x512xf32, #tpu.memory_space<vmem>>
    %dma_start3A_153 = tpu.memref_squeeze %dma_start3A_152 : memref<1x512xf32, #tpu.memory_space<vmem>> -> memref<512xf32, #tpu.memory_space<vmem>>
    %dma_start3A_154 = tpu.memref_slice %arg12[%add3A_149] : memref<131072xf32, #tpu.memory_space<vmem_shared>> -> memref<512xf32, #tpu.memory_space<vmem_shared>>
    %dma_start3A_155 = arith.constant 0 : i32
    %dma_start3A_156 = tpu.memref_slice %arg10[%dma_start3A_150, %dma_start3A_155] : memref<16x512xf32, #tpu.memory_space<vmem>> -> memref<1x512xf32, #tpu.memory_space<vmem>>
    %dma_start3A_157 = tpu.memref_squeeze %dma_start3A_156 : memref<1x512xf32, #tpu.memory_space<vmem>> -> memref<512xf32, #tpu.memory_space<vmem>>
    %dma_start3A_158 = tpu.memref_slice %arg12[%add3A_149] : memref<131072xf32, #tpu.memory_space<vmem_shared>> -> memref<512xf32, #tpu.memory_space<vmem_shared>>
    tpu.enqueue_dma source(%dma_start3A_158 : memref<512xf32, #tpu.memory_space<vmem_shared>>) target(%dma_start3A_157 : memref<512xf32, #tpu.memory_space<vmem>>) target_semaphore(%arg17 : memref<!tpu.dma_semaphore, #tpu.memory_space<semaphore_mem>>)
    %mul3A_159 = arith.constant 512 : i32
    %mul3A_160 = arith.muli %arg1, %mul3A_159 : i32
    %add3A_161 = arith.constant 57344 : i32
    %add3A_162 = arith.addi %add3A_161, %mul3A_160 : i32
    %dma_start3A_163 = arith.constant 7 : i32
    %dma_start3A_164 = arith.constant 0 : i32
    %dma_start3A_165 = tpu.memref_slice %arg10[%dma_start3A_163, %dma_start3A_164] : memref<16x512xf32, #tpu.memory_space<vmem>> -> memref<1x512xf32, #tpu.memory_space<vmem>>
    %dma_start3A_166 = tpu.memref_squeeze %dma_start3A_165 : memref<1x512xf32, #tpu.memory_space<vmem>> -> memref<512xf32, #tpu.memory_space<vmem>>
    %dma_start3A_167 = tpu.memref_slice %arg12[%add3A_162] : memref<131072xf32, #tpu.memory_space<vmem_shared>> -> memref<512xf32, #tpu.memory_space<vmem_shared>>
    %dma_start3A_168 = arith.constant 0 : i32
    %dma_start3A_169 = tpu.memref_slice %arg10[%dma_start3A_163, %dma_start3A_168] : memref<16x512xf32, #tpu.memory_space<vmem>> -> memref<1x512xf32, #tpu.memory_space<vmem>>
    %dma_start3A_170 = tpu.memref_squeeze %dma_start3A_169 : memref<1x512xf32, #tpu.memory_space<vmem>> -> memref<512xf32, #tpu.memory_space<vmem>>
    %dma_start3A_171 = tpu.memref_slice %arg12[%add3A_162] : memref<131072xf32, #tpu.memory_space<vmem_shared>> -> memref<512xf32, #tpu.memory_space<vmem_shared>>
    tpu.enqueue_dma source(%dma_start3A_171 : memref<512xf32, #tpu.memory_space<vmem_shared>>) target(%dma_start3A_170 : memref<512xf32, #tpu.memory_space<vmem>>) target_semaphore(%arg17 : memref<!tpu.dma_semaphore, #tpu.memory_space<semaphore_mem>>)
    %mul3A_172 = arith.constant 512 : i32
    %mul3A_173 = arith.muli %arg1, %mul3A_172 : i32
    %add3A_174 = arith.constant 65536 : i32
    %add3A_175 = arith.addi %add3A_174, %mul3A_173 : i32
    %dma_start3A_176 = arith.constant 8 : i32
    %dma_start3A_177 = arith.constant 0 : i32
    %dma_start3A_178 = tpu.memref_slice %arg10[%dma_start3A_176, %dma_start3A_177] : memref<16x512xf32, #tpu.memory_space<vmem>> -> memref<1x512xf32, #tpu.memory_space<vmem>>
    %dma_start3A_179 = tpu.memref_squeeze %dma_start3A_178 : memref<1x512xf32, #tpu.memory_space<vmem>> -> memref<512xf32, #tpu.memory_space<vmem>>
    %dma_start3A_180 = tpu.memref_slice %arg12[%add3A_175] : memref<131072xf32, #tpu.memory_space<vmem_shared>> -> memref<512xf32, #tpu.memory_space<vmem_shared>>
    %dma_start3A_181 = arith.constant 0 : i32
    %dma_start3A_182 = tpu.memref_slice %arg10[%dma_start3A_176, %dma_start3A_181] : memref<16x512xf32, #tpu.memory_space<vmem>> -> memref<1x512xf32, #tpu.memory_space<vmem>>
    %dma_start3A_183 = tpu.memref_squeeze %dma_start3A_182 : memref<1x512xf32, #tpu.memory_space<vmem>> -> memref<512xf32, #tpu.memory_space<vmem>>
    %dma_start3A_184 = tpu.memref_slice %arg12[%add3A_175] : memref<131072xf32, #tpu.memory_space<vmem_shared>> -> memref<512xf32, #tpu.memory_space<vmem_shared>>
    tpu.enqueue_dma source(%dma_start3A_184 : memref<512xf32, #tpu.memory_space<vmem_shared>>) target(%dma_start3A_183 : memref<512xf32, #tpu.memory_space<vmem>>) target_semaphore(%arg17 : memref<!tpu.dma_semaphore, #tpu.memory_space<semaphore_mem>>)
    %mul3A_185 = arith.constant 512 : i32
    %mul3A_186 = arith.muli %arg1, %mul3A_185 : i32
    %add3A_187 = arith.constant 73728 : i32
    %add3A_188 = arith.addi %add3A_187, %mul3A_186 : i32
    %dma_start3A_189 = arith.constant 9 : i32
    %dma_start3A_190 = arith.constant 0 : i32
    %dma_start3A_191 = tpu.memref_slice %arg10[%dma_start3A_189, %dma_start3A_190] : memref<16x512xf32, #tpu.memory_space<vmem>> -> memref<1x512xf32, #tpu.memory_space<vmem>>
    %dma_start3A_192 = tpu.memref_squeeze %dma_start3A_191 : memref<1x512xf32, #tpu.memory_space<vmem>> -> memref<512xf32, #tpu.memory_space<vmem>>
    %dma_start3A_193 = tpu.memref_slice %arg12[%add3A_188] : memref<131072xf32, #tpu.memory_space<vmem_shared>> -> memref<512xf32, #tpu.memory_space<vmem_shared>>
    %dma_start3A_194 = arith.constant 0 : i32
    %dma_start3A_195 = tpu.memref_slice %arg10[%dma_start3A_189, %dma_start3A_194] : memref<16x512xf32, #tpu.memory_space<vmem>> -> memref<1x512xf32, #tpu.memory_space<vmem>>
    %dma_start3A_196 = tpu.memref_squeeze %dma_start3A_195 : memref<1x512xf32, #tpu.memory_space<vmem>> -> memref<512xf32, #tpu.memory_space<vmem>>
    %dma_start3A_197 = tpu.memref_slice %arg12[%add3A_188] : memref<131072xf32, #tpu.memory_space<vmem_shared>> -> memref<512xf32, #tpu.memory_space<vmem_shared>>
    tpu.enqueue_dma source(%dma_start3A_197 : memref<512xf32, #tpu.memory_space<vmem_shared>>) target(%dma_start3A_196 : memref<512xf32, #tpu.memory_space<vmem>>) target_semaphore(%arg17 : memref<!tpu.dma_semaphore, #tpu.memory_space<semaphore_mem>>)
    %mul3A_198 = arith.constant 512 : i32
    %mul3A_199 = arith.muli %arg1, %mul3A_198 : i32
    %add3A_200 = arith.constant 81920 : i32
    %add3A_201 = arith.addi %add3A_200, %mul3A_199 : i32
    %dma_start3A_202 = arith.constant 10 : i32
    %dma_start3A_203 = arith.constant 0 : i32
    %dma_start3A_204 = tpu.memref_slice %arg10[%dma_start3A_202, %dma_start3A_203] : memref<16x512xf32, #tpu.memory_space<vmem>> -> memref<1x512xf32, #tpu.memory_space<vmem>>
    %dma_start3A_205 = tpu.memref_squeeze %dma_start3A_204 : memref<1x512xf32, #tpu.memory_space<vmem>> -> memref<512xf32, #tpu.memory_space<vmem>>
    %dma_start3A_206 = tpu.memref_slice %arg12[%add3A_201] : memref<131072xf32, #tpu.memory_space<vmem_shared>> -> memref<512xf32, #tpu.memory_space<vmem_shared>>
    %dma_start3A_207 = arith.constant 0 : i32
    %dma_start3A_208 = tpu.memref_slice %arg10[%dma_start3A_202, %dma_start3A_207] : memref<16x512xf32, #tpu.memory_space<vmem>> -> memref<1x512xf32, #tpu.memory_space<vmem>>
    %dma_start3A_209 = tpu.memref_squeeze %dma_start3A_208 : memref<1x512xf32, #tpu.memory_space<vmem>> -> memref<512xf32, #tpu.memory_space<vmem>>
    %dma_start3A_210 = tpu.memref_slice %arg12[%add3A_201] : memref<131072xf32, #tpu.memory_space<vmem_shared>> -> memref<512xf32, #tpu.memory_space<vmem_shared>>
    tpu.enqueue_dma source(%dma_start3A_210 : memref<512xf32, #tpu.memory_space<vmem_shared>>) target(%dma_start3A_209 : memref<512xf32, #tpu.memory_space<vmem>>) target_semaphore(%arg17 : memref<!tpu.dma_semaphore, #tpu.memory_space<semaphore_mem>>)
    %mul3A_211 = arith.constant 512 : i32
    %mul3A_212 = arith.muli %arg1, %mul3A_211 : i32
    %add3A_213 = arith.constant 90112 : i32
    %add3A_214 = arith.addi %add3A_213, %mul3A_212 : i32
    %dma_start3A_215 = arith.constant 11 : i32
    %dma_start3A_216 = arith.constant 0 : i32
    %dma_start3A_217 = tpu.memref_slice %arg10[%dma_start3A_215, %dma_start3A_216] : memref<16x512xf32, #tpu.memory_space<vmem>> -> memref<1x512xf32, #tpu.memory_space<vmem>>
    %dma_start3A_218 = tpu.memref_squeeze %dma_start3A_217 : memref<1x512xf32, #tpu.memory_space<vmem>> -> memref<512xf32, #tpu.memory_space<vmem>>
    %dma_start3A_219 = tpu.memref_slice %arg12[%add3A_214] : memref<131072xf32, #tpu.memory_space<vmem_shared>> -> memref<512xf32, #tpu.memory_space<vmem_shared>>
    %dma_start3A_220 = arith.constant 0 : i32
    %dma_start3A_221 = tpu.memref_slice %arg10[%dma_start3A_215, %dma_start3A_220] : memref<16x512xf32, #tpu.memory_space<vmem>> -> memref<1x512xf32, #tpu.memory_space<vmem>>
    %dma_start3A_222 = tpu.memref_squeeze %dma_start3A_221 : memref<1x512xf32, #tpu.memory_space<vmem>> -> memref<512xf32, #tpu.memory_space<vmem>>
    %dma_start3A_223 = tpu.memref_slice %arg12[%add3A_214] : memref<131072xf32, #tpu.memory_space<vmem_shared>> -> memref<512xf32, #tpu.memory_space<vmem_shared>>
    tpu.enqueue_dma source(%dma_start3A_223 : memref<512xf32, #tpu.memory_space<vmem_shared>>) target(%dma_start3A_222 : memref<512xf32, #tpu.memory_space<vmem>>) target_semaphore(%arg17 : memref<!tpu.dma_semaphore, #tpu.memory_space<semaphore_mem>>)
    %mul3A_224 = arith.constant 512 : i32
    %mul3A_225 = arith.muli %arg1, %mul3A_224 : i32
    %add3A_226 = arith.constant 98304 : i32
    %add3A_227 = arith.addi %add3A_226, %mul3A_225 : i32
    %dma_start3A_228 = arith.constant 12 : i32
    %dma_start3A_229 = arith.constant 0 : i32
    %dma_start3A_230 = tpu.memref_slice %arg10[%dma_start3A_228, %dma_start3A_229] : memref<16x512xf32, #tpu.memory_space<vmem>> -> memref<1x512xf32, #tpu.memory_space<vmem>>
    %dma_start3A_231 = tpu.memref_squeeze %dma_start3A_230 : memref<1x512xf32, #tpu.memory_space<vmem>> -> memref<512xf32, #tpu.memory_space<vmem>>
    %dma_start3A_232 = tpu.memref_slice %arg12[%add3A_227] : memref<131072xf32, #tpu.memory_space<vmem_shared>> -> memref<512xf32, #tpu.memory_space<vmem_shared>>
    %dma_start3A_233 = arith.constant 0 : i32
    %dma_start3A_234 = tpu.memref_slice %arg10[%dma_start3A_228, %dma_start3A_233] : memref<16x512xf32, #tpu.memory_space<vmem>> -> memref<1x512xf32, #tpu.memory_space<vmem>>
    %dma_start3A_235 = tpu.memref_squeeze %dma_start3A_234 : memref<1x512xf32, #tpu.memory_space<vmem>> -> memref<512xf32, #tpu.memory_space<vmem>>
    %dma_start3A_236 = tpu.memref_slice %arg12[%add3A_227] : memref<131072xf32, #tpu.memory_space<vmem_shared>> -> memref<512xf32, #tpu.memory_space<vmem_shared>>
    tpu.enqueue_dma source(%dma_start3A_236 : memref<512xf32, #tpu.memory_space<vmem_shared>>) target(%dma_start3A_235 : memref<512xf32, #tpu.memory_space<vmem>>) target_semaphore(%arg17 : memref<!tpu.dma_semaphore, #tpu.memory_space<semaphore_mem>>)
    %mul3A_237 = arith.constant 512 : i32
    %mul3A_238 = arith.muli %arg1, %mul3A_237 : i32
    %add3A_239 = arith.constant 106496 : i32
    %add3A_240 = arith.addi %add3A_239, %mul3A_238 : i32
    %dma_start3A_241 = arith.constant 13 : i32
    %dma_start3A_242 = arith.constant 0 : i32
    %dma_start3A_243 = tpu.memref_slice %arg10[%dma_start3A_241, %dma_start3A_242] : memref<16x512xf32, #tpu.memory_space<vmem>> -> memref<1x512xf32, #tpu.memory_space<vmem>>
    %dma_start3A_244 = tpu.memref_squeeze %dma_start3A_243 : memref<1x512xf32, #tpu.memory_space<vmem>> -> memref<512xf32, #tpu.memory_space<vmem>>
    %dma_start3A_245 = tpu.memref_slice %arg12[%add3A_240] : memref<131072xf32, #tpu.memory_space<vmem_shared>> -> memref<512xf32, #tpu.memory_space<vmem_shared>>
    %dma_start3A_246 = arith.constant 0 : i32
    %dma_start3A_247 = tpu.memref_slice %arg10[%dma_start3A_241, %dma_start3A_246] : memref<16x512xf32, #tpu.memory_space<vmem>> -> memref<1x512xf32, #tpu.memory_space<vmem>>
    %dma_start3A_248 = tpu.memref_squeeze %dma_start3A_247 : memref<1x512xf32, #tpu.memory_space<vmem>> -> memref<512xf32, #tpu.memory_space<vmem>>
    %dma_start3A_249 = tpu.memref_slice %arg12[%add3A_240] : memref<131072xf32, #tpu.memory_space<vmem_shared>> -> memref<512xf32, #tpu.memory_space<vmem_shared>>
    tpu.enqueue_dma source(%dma_start3A_249 : memref<512xf32, #tpu.memory_space<vmem_shared>>) target(%dma_start3A_248 : memref<512xf32, #tpu.memory_space<vmem>>) target_semaphore(%arg17 : memref<!tpu.dma_semaphore, #tpu.memory_space<semaphore_mem>>)
    %mul3A_250 = arith.constant 512 : i32
    %mul3A_251 = arith.muli %arg1, %mul3A_250 : i32
    %add3A_252 = arith.constant 114688 : i32
    %add3A_253 = arith.addi %add3A_252, %mul3A_251 : i32
    %dma_start3A_254 = arith.constant 14 : i32
    %dma_start3A_255 = arith.constant 0 : i32
    %dma_start3A_256 = tpu.memref_slice %arg10[%dma_start3A_254, %dma_start3A_255] : memref<16x512xf32, #tpu.memory_space<vmem>> -> memref<1x512xf32, #tpu.memory_space<vmem>>
    %dma_start3A_257 = tpu.memref_squeeze %dma_start3A_256 : memref<1x512xf32, #tpu.memory_space<vmem>> -> memref<512xf32, #tpu.memory_space<vmem>>
    %dma_start3A_258 = tpu.memref_slice %arg12[%add3A_253] : memref<131072xf32, #tpu.memory_space<vmem_shared>> -> memref<512xf32, #tpu.memory_space<vmem_shared>>
    %dma_start3A_259 = arith.constant 0 : i32
    %dma_start3A_260 = tpu.memref_slice %arg10[%dma_start3A_254, %dma_start3A_259] : memref<16x512xf32, #tpu.memory_space<vmem>> -> memref<1x512xf32, #tpu.memory_space<vmem>>
    %dma_start3A_261 = tpu.memref_squeeze %dma_start3A_260 : memref<1x512xf32, #tpu.memory_space<vmem>> -> memref<512xf32, #tpu.memory_space<vmem>>
    %dma_start3A_262 = tpu.memref_slice %arg12[%add3A_253] : memref<131072xf32, #tpu.memory_space<vmem_shared>> -> memref<512xf32, #tpu.memory_space<vmem_shared>>
    tpu.enqueue_dma source(%dma_start3A_262 : memref<512xf32, #tpu.memory_space<vmem_shared>>) target(%dma_start3A_261 : memref<512xf32, #tpu.memory_space<vmem>>) target_semaphore(%arg17 : memref<!tpu.dma_semaphore, #tpu.memory_space<semaphore_mem>>)
    %mul3A_263 = arith.constant 512 : i32
    %mul3A_264 = arith.muli %arg1, %mul3A_263 : i32
    %add3A_265 = arith.constant 122880 : i32
    %add3A_266 = arith.addi %add3A_265, %mul3A_264 : i32
    %dma_start3A_267 = arith.constant 15 : i32
    %dma_start3A_268 = arith.constant 0 : i32
    %dma_start3A_269 = tpu.memref_slice %arg10[%dma_start3A_267, %dma_start3A_268] : memref<16x512xf32, #tpu.memory_space<vmem>> -> memref<1x512xf32, #tpu.memory_space<vmem>>
    %dma_start3A_270 = tpu.memref_squeeze %dma_start3A_269 : memref<1x512xf32, #tpu.memory_space<vmem>> -> memref<512xf32, #tpu.memory_space<vmem>>
    %dma_start3A_271 = tpu.memref_slice %arg12[%add3A_266] : memref<131072xf32, #tpu.memory_space<vmem_shared>> -> memref<512xf32, #tpu.memory_space<vmem_shared>>
    %dma_start3A_272 = arith.constant 0 : i32
    %dma_start3A_273 = tpu.memref_slice %arg10[%dma_start3A_267, %dma_start3A_272] : memref<16x512xf32, #tpu.memory_space<vmem>> -> memref<1x512xf32, #tpu.memory_space<vmem>>
    %dma_start3A_274 = tpu.memref_squeeze %dma_start3A_273 : memref<1x512xf32, #tpu.memory_space<vmem>> -> memref<512xf32, #tpu.memory_space<vmem>>
    %dma_start3A_275 = tpu.memref_slice %arg12[%add3A_266] : memref<131072xf32, #tpu.memory_space<vmem_shared>> -> memref<512xf32, #tpu.memory_space<vmem_shared>>
    tpu.enqueue_dma source(%dma_start3A_275 : memref<512xf32, #tpu.memory_space<vmem_shared>>) target(%dma_start3A_274 : memref<512xf32, #tpu.memory_space<vmem>>) target_semaphore(%arg17 : memref<!tpu.dma_semaphore, #tpu.memory_space<semaphore_mem>>)
    %dma_wait3A_276 = arith.constant 0 : i32
    %dma_wait3A_277 = arith.constant 0 : i32
    %dma_wait3A_278 = tpu.memref_slice %arg10[%dma_wait3A_276, %dma_wait3A_277] : memref<16x512xf32, #tpu.memory_space<vmem>> -> memref<1x512xf32, #tpu.memory_space<vmem>>
    %dma_wait3A_279 = tpu.memref_squeeze %dma_wait3A_278 : memref<1x512xf32, #tpu.memory_space<vmem>> -> memref<512xf32, #tpu.memory_space<vmem>>
    %dma_wait3A_280 = tpu.memref_slice %arg12[%add3A_71] : memref<131072xf32, #tpu.memory_space<vmem_shared>> -> memref<512xf32, #tpu.memory_space<vmem_shared>>
    %dma_wait3A_281 = arith.constant 0 : i32
    %dma_wait3A_282 = tpu.memref_slice %arg10[%dma_wait3A_276, %dma_wait3A_281] : memref<16x512xf32, #tpu.memory_space<vmem>> -> memref<1x512xf32, #tpu.memory_space<vmem>>
    %dma_wait3A_283 = tpu.memref_squeeze %dma_wait3A_282 : memref<1x512xf32, #tpu.memory_space<vmem>> -> memref<512xf32, #tpu.memory_space<vmem>>
    %dma_wait3A_284 = tpu.memref_slice %arg12[%add3A_71] : memref<131072xf32, #tpu.memory_space<vmem_shared>> -> memref<512xf32, #tpu.memory_space<vmem_shared>>
    tpu.wait_dma2 semaphore(%arg17 : memref<!tpu.dma_semaphore, #tpu.memory_space<semaphore_mem>>) src(%dma_wait3A_284 : memref<512xf32, #tpu.memory_space<vmem_shared>>) dst(%dma_wait3A_283 : memref<512xf32, #tpu.memory_space<vmem>>)
    %dma_wait3A_285 = arith.constant 1 : i32
    %dma_wait3A_286 = arith.constant 0 : i32
    %dma_wait3A_287 = tpu.memref_slice %arg10[%dma_wait3A_285, %dma_wait3A_286] : memref<16x512xf32, #tpu.memory_space<vmem>> -> memref<1x512xf32, #tpu.memory_space<vmem>>
    %dma_wait3A_288 = tpu.memref_squeeze %dma_wait3A_287 : memref<1x512xf32, #tpu.memory_space<vmem>> -> memref<512xf32, #tpu.memory_space<vmem>>
    %dma_wait3A_289 = tpu.memref_slice %arg12[%add3A_84] : memref<131072xf32, #tpu.memory_space<vmem_shared>> -> memref<512xf32, #tpu.memory_space<vmem_shared>>
    %dma_wait3A_290 = arith.constant 0 : i32
    %dma_wait3A_291 = tpu.memref_slice %arg10[%dma_wait3A_285, %dma_wait3A_290] : memref<16x512xf32, #tpu.memory_space<vmem>> -> memref<1x512xf32, #tpu.memory_space<vmem>>
    %dma_wait3A_292 = tpu.memref_squeeze %dma_wait3A_291 : memref<1x512xf32, #tpu.memory_space<vmem>> -> memref<512xf32, #tpu.memory_space<vmem>>
    %dma_wait3A_293 = tpu.memref_slice %arg12[%add3A_84] : memref<131072xf32, #tpu.memory_space<vmem_shared>> -> memref<512xf32, #tpu.memory_space<vmem_shared>>
    tpu.wait_dma2 semaphore(%arg17 : memref<!tpu.dma_semaphore, #tpu.memory_space<semaphore_mem>>) src(%dma_wait3A_293 : memref<512xf32, #tpu.memory_space<vmem_shared>>) dst(%dma_wait3A_292 : memref<512xf32, #tpu.memory_space<vmem>>)
    %dma_wait3A_294 = arith.constant 2 : i32
    %dma_wait3A_295 = arith.constant 0 : i32
    %dma_wait3A_296 = tpu.memref_slice %arg10[%dma_wait3A_294, %dma_wait3A_295] : memref<16x512xf32, #tpu.memory_space<vmem>> -> memref<1x512xf32, #tpu.memory_space<vmem>>
    %dma_wait3A_297 = tpu.memref_squeeze %dma_wait3A_296 : memref<1x512xf32, #tpu.memory_space<vmem>> -> memref<512xf32, #tpu.memory_space<vmem>>
    %dma_wait3A_298 = tpu.memref_slice %arg12[%add3A_97] : memref<131072xf32, #tpu.memory_space<vmem_shared>> -> memref<512xf32, #tpu.memory_space<vmem_shared>>
    %dma_wait3A_299 = arith.constant 0 : i32
    %dma_wait3A_300 = tpu.memref_slice %arg10[%dma_wait3A_294, %dma_wait3A_299] : memref<16x512xf32, #tpu.memory_space<vmem>> -> memref<1x512xf32, #tpu.memory_space<vmem>>
    %dma_wait3A_301 = tpu.memref_squeeze %dma_wait3A_300 : memref<1x512xf32, #tpu.memory_space<vmem>> -> memref<512xf32, #tpu.memory_space<vmem>>
    %dma_wait3A_302 = tpu.memref_slice %arg12[%add3A_97] : memref<131072xf32, #tpu.memory_space<vmem_shared>> -> memref<512xf32, #tpu.memory_space<vmem_shared>>
    tpu.wait_dma2 semaphore(%arg17 : memref<!tpu.dma_semaphore, #tpu.memory_space<semaphore_mem>>) src(%dma_wait3A_302 : memref<512xf32, #tpu.memory_space<vmem_shared>>) dst(%dma_wait3A_301 : memref<512xf32, #tpu.memory_space<vmem>>)
    %dma_wait3A_303 = arith.constant 3 : i32
    %dma_wait3A_304 = arith.constant 0 : i32
    %dma_wait3A_305 = tpu.memref_slice %arg10[%dma_wait3A_303, %dma_wait3A_304] : memref<16x512xf32, #tpu.memory_space<vmem>> -> memref<1x512xf32, #tpu.memory_space<vmem>>
    %dma_wait3A_306 = tpu.memref_squeeze %dma_wait3A_305 : memref<1x512xf32, #tpu.memory_space<vmem>> -> memref<512xf32, #tpu.memory_space<vmem>>
    %dma_wait3A_307 = tpu.memref_slice %arg12[%add3A_110] : memref<131072xf32, #tpu.memory_space<vmem_shared>> -> memref<512xf32, #tpu.memory_space<vmem_shared>>
    %dma_wait3A_308 = arith.constant 0 : i32
    %dma_wait3A_309 = tpu.memref_slice %arg10[%dma_wait3A_303, %dma_wait3A_308] : memref<16x512xf32, #tpu.memory_space<vmem>> -> memref<1x512xf32, #tpu.memory_space<vmem>>
    %dma_wait3A_310 = tpu.memref_squeeze %dma_wait3A_309 : memref<1x512xf32, #tpu.memory_space<vmem>> -> memref<512xf32, #tpu.memory_space<vmem>>
    %dma_wait3A_311 = tpu.memref_slice %arg12[%add3A_110] : memref<131072xf32, #tpu.memory_space<vmem_shared>> -> memref<512xf32, #tpu.memory_space<vmem_shared>>
    tpu.wait_dma2 semaphore(%arg17 : memref<!tpu.dma_semaphore, #tpu.memory_space<semaphore_mem>>) src(%dma_wait3A_311 : memref<512xf32, #tpu.memory_space<vmem_shared>>) dst(%dma_wait3A_310 : memref<512xf32, #tpu.memory_space<vmem>>)
    %dma_wait3A_312 = arith.constant 4 : i32
    %dma_wait3A_313 = arith.constant 0 : i32
    %dma_wait3A_314 = tpu.memref_slice %arg10[%dma_wait3A_312, %dma_wait3A_313] : memref<16x512xf32, #tpu.memory_space<vmem>> -> memref<1x512xf32, #tpu.memory_space<vmem>>
    %dma_wait3A_315 = tpu.memref_squeeze %dma_wait3A_314 : memref<1x512xf32, #tpu.memory_space<vmem>> -> memref<512xf32, #tpu.memory_space<vmem>>
    %dma_wait3A_316 = tpu.memref_slice %arg12[%add3A_123] : memref<131072xf32, #tpu.memory_space<vmem_shared>> -> memref<512xf32, #tpu.memory_space<vmem_shared>>
    %dma_wait3A_317 = arith.constant 0 : i32
    %dma_wait3A_318 = tpu.memref_slice %arg10[%dma_wait3A_312, %dma_wait3A_317] : memref<16x512xf32, #tpu.memory_space<vmem>> -> memref<1x512xf32, #tpu.memory_space<vmem>>
    %dma_wait3A_319 = tpu.memref_squeeze %dma_wait3A_318 : memref<1x512xf32, #tpu.memory_space<vmem>> -> memref<512xf32, #tpu.memory_space<vmem>>
    %dma_wait3A_320 = tpu.memref_slice %arg12[%add3A_123] : memref<131072xf32, #tpu.memory_space<vmem_shared>> -> memref<512xf32, #tpu.memory_space<vmem_shared>>
    tpu.wait_dma2 semaphore(%arg17 : memref<!tpu.dma_semaphore, #tpu.memory_space<semaphore_mem>>) src(%dma_wait3A_320 : memref<512xf32, #tpu.memory_space<vmem_shared>>) dst(%dma_wait3A_319 : memref<512xf32, #tpu.memory_space<vmem>>)
    %dma_wait3A_321 = arith.constant 5 : i32
    %dma_wait3A_322 = arith.constant 0 : i32
    %dma_wait3A_323 = tpu.memref_slice %arg10[%dma_wait3A_321, %dma_wait3A_322] : memref<16x512xf32, #tpu.memory_space<vmem>> -> memref<1x512xf32, #tpu.memory_space<vmem>>
    %dma_wait3A_324 = tpu.memref_squeeze %dma_wait3A_323 : memref<1x512xf32, #tpu.memory_space<vmem>> -> memref<512xf32, #tpu.memory_space<vmem>>
    %dma_wait3A_325 = tpu.memref_slice %arg12[%add3A_136] : memref<131072xf32, #tpu.memory_space<vmem_shared>> -> memref<512xf32, #tpu.memory_space<vmem_shared>>
    %dma_wait3A_326 = arith.constant 0 : i32
    %dma_wait3A_327 = tpu.memref_slice %arg10[%dma_wait3A_321, %dma_wait3A_326] : memref<16x512xf32, #tpu.memory_space<vmem>> -> memref<1x512xf32, #tpu.memory_space<vmem>>
    %dma_wait3A_328 = tpu.memref_squeeze %dma_wait3A_327 : memref<1x512xf32, #tpu.memory_space<vmem>> -> memref<512xf32, #tpu.memory_space<vmem>>
    %dma_wait3A_329 = tpu.memref_slice %arg12[%add3A_136] : memref<131072xf32, #tpu.memory_space<vmem_shared>> -> memref<512xf32, #tpu.memory_space<vmem_shared>>
    tpu.wait_dma2 semaphore(%arg17 : memref<!tpu.dma_semaphore, #tpu.memory_space<semaphore_mem>>) src(%dma_wait3A_329 : memref<512xf32, #tpu.memory_space<vmem_shared>>) dst(%dma_wait3A_328 : memref<512xf32, #tpu.memory_space<vmem>>)
    %dma_wait3A_330 = arith.constant 6 : i32
    %dma_wait3A_331 = arith.constant 0 : i32
    %dma_wait3A_332 = tpu.memref_slice %arg10[%dma_wait3A_330, %dma_wait3A_331] : memref<16x512xf32, #tpu.memory_space<vmem>> -> memref<1x512xf32, #tpu.memory_space<vmem>>
    %dma_wait3A_333 = tpu.memref_squeeze %dma_wait3A_332 : memref<1x512xf32, #tpu.memory_space<vmem>> -> memref<512xf32, #tpu.memory_space<vmem>>
    %dma_wait3A_334 = tpu.memref_slice %arg12[%add3A_149] : memref<131072xf32, #tpu.memory_space<vmem_shared>> -> memref<512xf32, #tpu.memory_space<vmem_shared>>
    %dma_wait3A_335 = arith.constant 0 : i32
    %dma_wait3A_336 = tpu.memref_slice %arg10[%dma_wait3A_330, %dma_wait3A_335] : memref<16x512xf32, #tpu.memory_space<vmem>> -> memref<1x512xf32, #tpu.memory_space<vmem>>
    %dma_wait3A_337 = tpu.memref_squeeze %dma_wait3A_336 : memref<1x512xf32, #tpu.memory_space<vmem>> -> memref<512xf32, #tpu.memory_space<vmem>>
    %dma_wait3A_338 = tpu.memref_slice %arg12[%add3A_149] : memref<131072xf32, #tpu.memory_space<vmem_shared>> -> memref<512xf32, #tpu.memory_space<vmem_shared>>
    tpu.wait_dma2 semaphore(%arg17 : memref<!tpu.dma_semaphore, #tpu.memory_space<semaphore_mem>>) src(%dma_wait3A_338 : memref<512xf32, #tpu.memory_space<vmem_shared>>) dst(%dma_wait3A_337 : memref<512xf32, #tpu.memory_space<vmem>>)
    %dma_wait3A_339 = arith.constant 7 : i32
    %dma_wait3A_340 = arith.constant 0 : i32
    %dma_wait3A_341 = tpu.memref_slice %arg10[%dma_wait3A_339, %dma_wait3A_340] : memref<16x512xf32, #tpu.memory_space<vmem>> -> memref<1x512xf32, #tpu.memory_space<vmem>>
    %dma_wait3A_342 = tpu.memref_squeeze %dma_wait3A_341 : memref<1x512xf32, #tpu.memory_space<vmem>> -> memref<512xf32, #tpu.memory_space<vmem>>
    %dma_wait3A_343 = tpu.memref_slice %arg12[%add3A_162] : memref<131072xf32, #tpu.memory_space<vmem_shared>> -> memref<512xf32, #tpu.memory_space<vmem_shared>>
    %dma_wait3A_344 = arith.constant 0 : i32
    %dma_wait3A_345 = tpu.memref_slice %arg10[%dma_wait3A_339, %dma_wait3A_344] : memref<16x512xf32, #tpu.memory_space<vmem>> -> memref<1x512xf32, #tpu.memory_space<vmem>>
    %dma_wait3A_346 = tpu.memref_squeeze %dma_wait3A_345 : memref<1x512xf32, #tpu.memory_space<vmem>> -> memref<512xf32, #tpu.memory_space<vmem>>
    %dma_wait3A_347 = tpu.memref_slice %arg12[%add3A_162] : memref<131072xf32, #tpu.memory_space<vmem_shared>> -> memref<512xf32, #tpu.memory_space<vmem_shared>>
    tpu.wait_dma2 semaphore(%arg17 : memref<!tpu.dma_semaphore, #tpu.memory_space<semaphore_mem>>) src(%dma_wait3A_347 : memref<512xf32, #tpu.memory_space<vmem_shared>>) dst(%dma_wait3A_346 : memref<512xf32, #tpu.memory_space<vmem>>)
    %dma_wait3A_348 = arith.constant 8 : i32
    %dma_wait3A_349 = arith.constant 0 : i32
    %dma_wait3A_350 = tpu.memref_slice %arg10[%dma_wait3A_348, %dma_wait3A_349] : memref<16x512xf32, #tpu.memory_space<vmem>> -> memref<1x512xf32, #tpu.memory_space<vmem>>
    %dma_wait3A_351 = tpu.memref_squeeze %dma_wait3A_350 : memref<1x512xf32, #tpu.memory_space<vmem>> -> memref<512xf32, #tpu.memory_space<vmem>>
    %dma_wait3A_352 = tpu.memref_slice %arg12[%add3A_175] : memref<131072xf32, #tpu.memory_space<vmem_shared>> -> memref<512xf32, #tpu.memory_space<vmem_shared>>
    %dma_wait3A_353 = arith.constant 0 : i32
    %dma_wait3A_354 = tpu.memref_slice %arg10[%dma_wait3A_348, %dma_wait3A_353] : memref<16x512xf32, #tpu.memory_space<vmem>> -> memref<1x512xf32, #tpu.memory_space<vmem>>
    %dma_wait3A_355 = tpu.memref_squeeze %dma_wait3A_354 : memref<1x512xf32, #tpu.memory_space<vmem>> -> memref<512xf32, #tpu.memory_space<vmem>>
    %dma_wait3A_356 = tpu.memref_slice %arg12[%add3A_175] : memref<131072xf32, #tpu.memory_space<vmem_shared>> -> memref<512xf32, #tpu.memory_space<vmem_shared>>
    tpu.wait_dma2 semaphore(%arg17 : memref<!tpu.dma_semaphore, #tpu.memory_space<semaphore_mem>>) src(%dma_wait3A_356 : memref<512xf32, #tpu.memory_space<vmem_shared>>) dst(%dma_wait3A_355 : memref<512xf32, #tpu.memory_space<vmem>>)
    %dma_wait3A_357 = arith.constant 9 : i32
    %dma_wait3A_358 = arith.constant 0 : i32
    %dma_wait3A_359 = tpu.memref_slice %arg10[%dma_wait3A_357, %dma_wait3A_358] : memref<16x512xf32, #tpu.memory_space<vmem>> -> memref<1x512xf32, #tpu.memory_space<vmem>>
    %dma_wait3A_360 = tpu.memref_squeeze %dma_wait3A_359 : memref<1x512xf32, #tpu.memory_space<vmem>> -> memref<512xf32, #tpu.memory_space<vmem>>
    %dma_wait3A_361 = tpu.memref_slice %arg12[%add3A_188] : memref<131072xf32, #tpu.memory_space<vmem_shared>> -> memref<512xf32, #tpu.memory_space<vmem_shared>>
    %dma_wait3A_362 = arith.constant 0 : i32
    %dma_wait3A_363 = tpu.memref_slice %arg10[%dma_wait3A_357, %dma_wait3A_362] : memref<16x512xf32, #tpu.memory_space<vmem>> -> memref<1x512xf32, #tpu.memory_space<vmem>>
    %dma_wait3A_364 = tpu.memref_squeeze %dma_wait3A_363 : memref<1x512xf32, #tpu.memory_space<vmem>> -> memref<512xf32, #tpu.memory_space<vmem>>
    %dma_wait3A_365 = tpu.memref_slice %arg12[%add3A_188] : memref<131072xf32, #tpu.memory_space<vmem_shared>> -> memref<512xf32, #tpu.memory_space<vmem_shared>>
    tpu.wait_dma2 semaphore(%arg17 : memref<!tpu.dma_semaphore, #tpu.memory_space<semaphore_mem>>) src(%dma_wait3A_365 : memref<512xf32, #tpu.memory_space<vmem_shared>>) dst(%dma_wait3A_364 : memref<512xf32, #tpu.memory_space<vmem>>)
    %dma_wait3A_366 = arith.constant 10 : i32
    %dma_wait3A_367 = arith.constant 0 : i32
    %dma_wait3A_368 = tpu.memref_slice %arg10[%dma_wait3A_366, %dma_wait3A_367] : memref<16x512xf32, #tpu.memory_space<vmem>> -> memref<1x512xf32, #tpu.memory_space<vmem>>
    %dma_wait3A_369 = tpu.memref_squeeze %dma_wait3A_368 : memref<1x512xf32, #tpu.memory_space<vmem>> -> memref<512xf32, #tpu.memory_space<vmem>>
    %dma_wait3A_370 = tpu.memref_slice %arg12[%add3A_201] : memref<131072xf32, #tpu.memory_space<vmem_shared>> -> memref<512xf32, #tpu.memory_space<vmem_shared>>
    %dma_wait3A_371 = arith.constant 0 : i32
    %dma_wait3A_372 = tpu.memref_slice %arg10[%dma_wait3A_366, %dma_wait3A_371] : memref<16x512xf32, #tpu.memory_space<vmem>> -> memref<1x512xf32, #tpu.memory_space<vmem>>
    %dma_wait3A_373 = tpu.memref_squeeze %dma_wait3A_372 : memref<1x512xf32, #tpu.memory_space<vmem>> -> memref<512xf32, #tpu.memory_space<vmem>>
    %dma_wait3A_374 = tpu.memref_slice %arg12[%add3A_201] : memref<131072xf32, #tpu.memory_space<vmem_shared>> -> memref<512xf32, #tpu.memory_space<vmem_shared>>
    tpu.wait_dma2 semaphore(%arg17 : memref<!tpu.dma_semaphore, #tpu.memory_space<semaphore_mem>>) src(%dma_wait3A_374 : memref<512xf32, #tpu.memory_space<vmem_shared>>) dst(%dma_wait3A_373 : memref<512xf32, #tpu.memory_space<vmem>>)
    %dma_wait3A_375 = arith.constant 11 : i32
    %dma_wait3A_376 = arith.constant 0 : i32
    %dma_wait3A_377 = tpu.memref_slice %arg10[%dma_wait3A_375, %dma_wait3A_376] : memref<16x512xf32, #tpu.memory_space<vmem>> -> memref<1x512xf32, #tpu.memory_space<vmem>>
    %dma_wait3A_378 = tpu.memref_squeeze %dma_wait3A_377 : memref<1x512xf32, #tpu.memory_space<vmem>> -> memref<512xf32, #tpu.memory_space<vmem>>
    %dma_wait3A_379 = tpu.memref_slice %arg12[%add3A_214] : memref<131072xf32, #tpu.memory_space<vmem_shared>> -> memref<512xf32, #tpu.memory_space<vmem_shared>>
    %dma_wait3A_380 = arith.constant 0 : i32
    %dma_wait3A_381 = tpu.memref_slice %arg10[%dma_wait3A_375, %dma_wait3A_380] : memref<16x512xf32, #tpu.memory_space<vmem>> -> memref<1x512xf32, #tpu.memory_space<vmem>>
    %dma_wait3A_382 = tpu.memref_squeeze %dma_wait3A_381 : memref<1x512xf32, #tpu.memory_space<vmem>> -> memref<512xf32, #tpu.memory_space<vmem>>
    %dma_wait3A_383 = tpu.memref_slice %arg12[%add3A_214] : memref<131072xf32, #tpu.memory_space<vmem_shared>> -> memref<512xf32, #tpu.memory_space<vmem_shared>>
    tpu.wait_dma2 semaphore(%arg17 : memref<!tpu.dma_semaphore, #tpu.memory_space<semaphore_mem>>) src(%dma_wait3A_383 : memref<512xf32, #tpu.memory_space<vmem_shared>>) dst(%dma_wait3A_382 : memref<512xf32, #tpu.memory_space<vmem>>)
    %dma_wait3A_384 = arith.constant 12 : i32
    %dma_wait3A_385 = arith.constant 0 : i32
    %dma_wait3A_386 = tpu.memref_slice %arg10[%dma_wait3A_384, %dma_wait3A_385] : memref<16x512xf32, #tpu.memory_space<vmem>> -> memref<1x512xf32, #tpu.memory_space<vmem>>
    %dma_wait3A_387 = tpu.memref_squeeze %dma_wait3A_386 : memref<1x512xf32, #tpu.memory_space<vmem>> -> memref<512xf32, #tpu.memory_space<vmem>>
    %dma_wait3A_388 = tpu.memref_slice %arg12[%add3A_227] : memref<131072xf32, #tpu.memory_space<vmem_shared>> -> memref<512xf32, #tpu.memory_space<vmem_shared>>
    %dma_wait3A_389 = arith.constant 0 : i32
    %dma_wait3A_390 = tpu.memref_slice %arg10[%dma_wait3A_384, %dma_wait3A_389] : memref<16x512xf32, #tpu.memory_space<vmem>> -> memref<1x512xf32, #tpu.memory_space<vmem>>
    %dma_wait3A_391 = tpu.memref_squeeze %dma_wait3A_390 : memref<1x512xf32, #tpu.memory_space<vmem>> -> memref<512xf32, #tpu.memory_space<vmem>>
    %dma_wait3A_392 = tpu.memref_slice %arg12[%add3A_227] : memref<131072xf32, #tpu.memory_space<vmem_shared>> -> memref<512xf32, #tpu.memory_space<vmem_shared>>
    tpu.wait_dma2 semaphore(%arg17 : memref<!tpu.dma_semaphore, #tpu.memory_space<semaphore_mem>>) src(%dma_wait3A_392 : memref<512xf32, #tpu.memory_space<vmem_shared>>) dst(%dma_wait3A_391 : memref<512xf32, #tpu.memory_space<vmem>>)
    %dma_wait3A_393 = arith.constant 13 : i32
    %dma_wait3A_394 = arith.constant 0 : i32
    %dma_wait3A_395 = tpu.memref_slice %arg10[%dma_wait3A_393, %dma_wait3A_394] : memref<16x512xf32, #tpu.memory_space<vmem>> -> memref<1x512xf32, #tpu.memory_space<vmem>>
    %dma_wait3A_396 = tpu.memref_squeeze %dma_wait3A_395 : memref<1x512xf32, #tpu.memory_space<vmem>> -> memref<512xf32, #tpu.memory_space<vmem>>
    %dma_wait3A_397 = tpu.memref_slice %arg12[%add3A_240] : memref<131072xf32, #tpu.memory_space<vmem_shared>> -> memref<512xf32, #tpu.memory_space<vmem_shared>>
    %dma_wait3A_398 = arith.constant 0 : i32
    %dma_wait3A_399 = tpu.memref_slice %arg10[%dma_wait3A_393, %dma_wait3A_398] : memref<16x512xf32, #tpu.memory_space<vmem>> -> memref<1x512xf32, #tpu.memory_space<vmem>>
    %dma_wait3A_400 = tpu.memref_squeeze %dma_wait3A_399 : memref<1x512xf32, #tpu.memory_space<vmem>> -> memref<512xf32, #tpu.memory_space<vmem>>
    %dma_wait3A_401 = tpu.memref_slice %arg12[%add3A_240] : memref<131072xf32, #tpu.memory_space<vmem_shared>> -> memref<512xf32, #tpu.memory_space<vmem_shared>>
    tpu.wait_dma2 semaphore(%arg17 : memref<!tpu.dma_semaphore, #tpu.memory_space<semaphore_mem>>) src(%dma_wait3A_401 : memref<512xf32, #tpu.memory_space<vmem_shared>>) dst(%dma_wait3A_400 : memref<512xf32, #tpu.memory_space<vmem>>)
    %dma_wait3A_402 = arith.constant 14 : i32
    %dma_wait3A_403 = arith.constant 0 : i32
    %dma_wait3A_404 = tpu.memref_slice %arg10[%dma_wait3A_402, %dma_wait3A_403] : memref<16x512xf32, #tpu.memory_space<vmem>> -> memref<1x512xf32, #tpu.memory_space<vmem>>
    %dma_wait3A_405 = tpu.memref_squeeze %dma_wait3A_404 : memref<1x512xf32, #tpu.memory_space<vmem>> -> memref<512xf32, #tpu.memory_space<vmem>>
    %dma_wait3A_406 = tpu.memref_slice %arg12[%add3A_253] : memref<131072xf32, #tpu.memory_space<vmem_shared>> -> memref<512xf32, #tpu.memory_space<vmem_shared>>
    %dma_wait3A_407 = arith.constant 0 : i32
    %dma_wait3A_408 = tpu.memref_slice %arg10[%dma_wait3A_402, %dma_wait3A_407] : memref<16x512xf32, #tpu.memory_space<vmem>> -> memref<1x512xf32, #tpu.memory_space<vmem>>
    %dma_wait3A_409 = tpu.memref_squeeze %dma_wait3A_408 : memref<1x512xf32, #tpu.memory_space<vmem>> -> memref<512xf32, #tpu.memory_space<vmem>>
    %dma_wait3A_410 = tpu.memref_slice %arg12[%add3A_253] : memref<131072xf32, #tpu.memory_space<vmem_shared>> -> memref<512xf32, #tpu.memory_space<vmem_shared>>
    tpu.wait_dma2 semaphore(%arg17 : memref<!tpu.dma_semaphore, #tpu.memory_space<semaphore_mem>>) src(%dma_wait3A_410 : memref<512xf32, #tpu.memory_space<vmem_shared>>) dst(%dma_wait3A_409 : memref<512xf32, #tpu.memory_space<vmem>>)
    %dma_wait3A_411 = arith.constant 15 : i32
    %dma_wait3A_412 = arith.constant 0 : i32
    %dma_wait3A_413 = tpu.memref_slice %arg10[%dma_wait3A_411, %dma_wait3A_412] : memref<16x512xf32, #tpu.memory_space<vmem>> -> memref<1x512xf32, #tpu.memory_space<vmem>>
    %dma_wait3A_414 = tpu.memref_squeeze %dma_wait3A_413 : memref<1x512xf32, #tpu.memory_space<vmem>> -> memref<512xf32, #tpu.memory_space<vmem>>
    %dma_wait3A_415 = tpu.memref_slice %arg12[%add3A_266] : memref<131072xf32, #tpu.memory_space<vmem_shared>> -> memref<512xf32, #tpu.memory_space<vmem_shared>>
    %dma_wait3A_416 = arith.constant 0 : i32
    %dma_wait3A_417 = tpu.memref_slice %arg10[%dma_wait3A_411, %dma_wait3A_416] : memref<16x512xf32, #tpu.memory_space<vmem>> -> memref<1x512xf32, #tpu.memory_space<vmem>>
    %dma_wait3A_418 = tpu.memref_squeeze %dma_wait3A_417 : memref<1x512xf32, #tpu.memory_space<vmem>> -> memref<512xf32, #tpu.memory_space<vmem>>
    %dma_wait3A_419 = tpu.memref_slice %arg12[%add3A_266] : memref<131072xf32, #tpu.memory_space<vmem_shared>> -> memref<512xf32, #tpu.memory_space<vmem_shared>>
    tpu.wait_dma2 semaphore(%arg17 : memref<!tpu.dma_semaphore, #tpu.memory_space<semaphore_mem>>) src(%dma_wait3A_419 : memref<512xf32, #tpu.memory_space<vmem_shared>>) dst(%dma_wait3A_418 : memref<512xf32, #tpu.memory_space<vmem>>)
    %scan3A_420 = arith.constant 0 : i32
    %scan3A_421 = arith.constant 0 : i32
    %scan3A_422 = arith.constant 32 : i32
    %scan3A_423 = arith.addi %scan3A_421, %scan3A_422 : i32
    %scan3A_424 = arith.constant 1 : i32
    scf.for %scan3A_431 = %scan3A_421 to %scan3A_423 step %scan3A_424  : i32 {
      %mul3A_432 = arith.constant 16 : i32
      %mul3A_433 = arith.muli %scan3A_431, %mul3A_432 : i32
      %get3A = arith.constant 0 : i32
      %get3A_434 = arith.index_cast %get3A : i32 to index
      %get3A_435 = arith.index_cast %mul3A_433 : i32 to index
      %get3A_436 = tpu.vector_load %arg10[%get3A_434, %get3A_435] {strides = array<i32>} : memref<16x512xf32, #tpu.memory_space<vmem>>, vector<16xf32>,
      %mul3A_437 = arith.constant 16 : i32
      %mul3A_438 = arith.muli %scan3A_431, %mul3A_437 : i32
      %get3A_439 = arith.constant 1 : i32
      %get3A_440 = arith.index_cast %get3A_439 : i32 to index
      %get3A_441 = arith.index_cast %mul3A_438 : i32 to index
      %get3A_442 = tpu.vector_load %arg10[%get3A_440, %get3A_441] {strides = array<i32>} : memref<16x512xf32, #tpu.memory_space<vmem>>, vector<16xf32>,
      %add3A_443 = arith.addf %get3A_436, %get3A_442 : vector<16xf32>
      %mul3A_444 = arith.constant 16 : i32
      %mul3A_445 = arith.muli %scan3A_431, %mul3A_444 : i32
      %get3A_446 = arith.constant 2 : i32
      %get3A_447 = arith.index_cast %get3A_446 : i32 to index
      %get3A_448 = arith.index_cast %mul3A_445 : i32 to index
      %get3A_449 = tpu.vector_load %arg10[%get3A_447, %get3A_448] {strides = array<i32>} : memref<16x512xf32, #tpu.memory_space<vmem>>, vector<16xf32>,
      %add3A_450 = arith.addf %add3A_443, %get3A_449 : vector<16xf32>
      %mul3A_451 = arith.constant 16 : i32
      %mul3A_452 = arith.muli %scan3A_431, %mul3A_451 : i32
      %get3A_453 = arith.constant 3 : i32
      %get3A_454 = arith.index_cast %get3A_453 : i32 to index
      %get3A_455 = arith.index_cast %mul3A_452 : i32 to index
      %get3A_456 = tpu.vector_load %arg10[%get3A_454, %get3A_455] {strides = array<i32>} : memref<16x512xf32, #tpu.memory_space<vmem>>, vector<16xf32>,
      %add3A_457 = arith.addf %add3A_450, %get3A_456 : vector<16xf32>
      %mul3A_458 = arith.constant 16 : i32
      %mul3A_459 = arith.muli %scan3A_431, %mul3A_458 : i32
      %get3A_460 = arith.constant 4 : i32
      %get3A_461 = arith.index_cast %get3A_460 : i32 to index
      %get3A_462 = arith.index_cast %mul3A_459 : i32 to index
      %get3A_463 = tpu.vector_load %arg10[%get3A_461, %get3A_462] {strides = array<i32>} : memref<16x512xf32, #tpu.memory_space<vmem>>, vector<16xf32>,
      %add3A_464 = arith.addf %add3A_457, %get3A_463 : vector<16xf32>
      %mul3A_465 = arith.constant 16 : i32
      %mul3A_466 = arith.muli %scan3A_431, %mul3A_465 : i32
      %get3A_467 = arith.constant 5 : i32
      %get3A_468 = arith.index_cast %get3A_467 : i32 to index
      %get3A_469 = arith.index_cast %mul3A_466 : i32 to index
      %get3A_470 = tpu.vector_load %arg10[%get3A_468, %get3A_469] {strides = array<i32>} : memref<16x512xf32, #tpu.memory_space<vmem>>, vector<16xf32>,
      %add3A_471 = arith.addf %add3A_464, %get3A_470 : vector<16xf32>
      %mul3A_472 = arith.constant 16 : i32
      %mul3A_473 = arith.muli %scan3A_431, %mul3A_472 : i32
      %get3A_474 = arith.constant 6 : i32
      %get3A_475 = arith.index_cast %get3A_474 : i32 to index
      %get3A_476 = arith.index_cast %mul3A_473 : i32 to index
      %get3A_477 = tpu.vector_load %arg10[%get3A_475, %get3A_476] {strides = array<i32>} : memref<16x512xf32, #tpu.memory_space<vmem>>, vector<16xf32>,
      %add3A_478 = arith.addf %add3A_471, %get3A_477 : vector<16xf32>
      %mul3A_479 = arith.constant 16 : i32
      %mul3A_480 = arith.muli %scan3A_431, %mul3A_479 : i32
      %get3A_481 = arith.constant 7 : i32
      %get3A_482 = arith.index_cast %get3A_481 : i32 to index
      %get3A_483 = arith.index_cast %mul3A_480 : i32 to index
      %get3A_484 = tpu.vector_load %arg10[%get3A_482, %get3A_483] {strides = array<i32>} : memref<16x512xf32, #tpu.memory_space<vmem>>, vector<16xf32>,
      %add3A_485 = arith.addf %add3A_478, %get3A_484 : vector<16xf32>
      %mul3A_486 = arith.constant 16 : i32
      %mul3A_487 = arith.muli %scan3A_431, %mul3A_486 : i32
      %get3A_488 = arith.constant 8 : i32
      %get3A_489 = arith.index_cast %get3A_488 : i32 to index
      %get3A_490 = arith.index_cast %mul3A_487 : i32 to index
      %get3A_491 = tpu.vector_load %arg10[%get3A_489, %get3A_490] {strides = array<i32>} : memref<16x512xf32, #tpu.memory_space<vmem>>, vector<16xf32>,
      %add3A_492 = arith.addf %add3A_485, %get3A_491 : vector<16xf32>
      %mul3A_493 = arith.constant 16 : i32
      %mul3A_494 = arith.muli %scan3A_431, %mul3A_493 : i32
      %get3A_495 = arith.constant 9 : i32
      %get3A_496 = arith.index_cast %get3A_495 : i32 to index
      %get3A_497 = arith.index_cast %mul3A_494 : i32 to index
      %get3A_498 = tpu.vector_load %arg10[%get3A_496, %get3A_497] {strides = array<i32>} : memref<16x512xf32, #tpu.memory_space<vmem>>, vector<16xf32>,
      %add3A_499 = arith.addf %add3A_492, %get3A_498 : vector<16xf32>
      %mul3A_500 = arith.constant 16 : i32
      %mul3A_501 = arith.muli %scan3A_431, %mul3A_500 : i32
      %get3A_502 = arith.constant 10 : i32
      %get3A_503 = arith.index_cast %get3A_502 : i32 to index
      %get3A_504 = arith.index_cast %mul3A_501 : i32 to index
      %get3A_505 = tpu.vector_load %arg10[%get3A_503, %get3A_504] {strides = array<i32>} : memref<16x512xf32, #tpu.memory_space<vmem>>, vector<16xf32>,
      %add3A_506 = arith.addf %add3A_499, %get3A_505 : vector<16xf32>
      %mul3A_507 = arith.constant 16 : i32
      %mul3A_508 = arith.muli %scan3A_431, %mul3A_507 : i32
      %get3A_509 = arith.constant 11 : i32
      %get3A_510 = arith.index_cast %get3A_509 : i32 to index
      %get3A_511 = arith.index_cast %mul3A_508 : i32 to index
      %get3A_512 = tpu.vector_load %arg10[%get3A_510, %get3A_511] {strides = array<i32>} : memref<16x512xf32, #tpu.memory_space<vmem>>, vector<16xf32>,
      %add3A_513 = arith.addf %add3A_506, %get3A_512 : vector<16xf32>
      %mul3A_514 = arith.constant 16 : i32
      %mul3A_515 = arith.muli %scan3A_431, %mul3A_514 : i32
      %get3A_516 = arith.constant 12 : i32
      %get3A_517 = arith.index_cast %get3A_516 : i32 to index
      %get3A_518 = arith.index_cast %mul3A_515 : i32 to index
      %get3A_519 = tpu.vector_load %arg10[%get3A_517, %get3A_518] {strides = array<i32>} : memref<16x512xf32, #tpu.memory_space<vmem>>, vector<16xf32>,
      %add3A_520 = arith.addf %add3A_513, %get3A_519 : vector<16xf32>
      %mul3A_521 = arith.constant 16 : i32
      %mul3A_522 = arith.muli %scan3A_431, %mul3A_521 : i32
      %get3A_523 = arith.constant 13 : i32
      %get3A_524 = arith.index_cast %get3A_523 : i32 to index
      %get3A_525 = arith.index_cast %mul3A_522 : i32 to index
      %get3A_526 = tpu.vector_load %arg10[%get3A_524, %get3A_525] {strides = array<i32>} : memref<16x512xf32, #tpu.memory_space<vmem>>, vector<16xf32>,
      %add3A_527 = arith.addf %add3A_520, %get3A_526 : vector<16xf32>
      %mul3A_528 = arith.constant 16 : i32
      %mul3A_529 = arith.muli %scan3A_431, %mul3A_528 : i32
      %get3A_530 = arith.constant 14 : i32
      %get3A_531 = arith.index_cast %get3A_530 : i32 to index
      %get3A_532 = arith.index_cast %mul3A_529 : i32 to index
      %get3A_533 = tpu.vector_load %arg10[%get3A_531, %get3A_532] {strides = array<i32>} : memref<16x512xf32, #tpu.memory_space<vmem>>, vector<16xf32>,
      %add3A_534 = arith.addf %add3A_527, %get3A_533 : vector<16xf32>
      %mul3A_535 = arith.constant 16 : i32
      %mul3A_536 = arith.muli %scan3A_431, %mul3A_535 : i32
      %get3A_537 = arith.constant 15 : i32
      %get3A_538 = arith.index_cast %get3A_537 : i32 to index
      %get3A_539 = arith.index_cast %mul3A_536 : i32 to index
      %get3A_540 = tpu.vector_load %arg10[%get3A_538, %get3A_539] {strides = array<i32>} : memref<16x512xf32, #tpu.memory_space<vmem>>, vector<16xf32>,
      %add3A_541 = arith.addf %add3A_534, %get3A_540 : vector<16xf32>
      %mul3A_542 = arith.constant 16 : i32
      %mul3A_543 = arith.muli %scan3A_431, %mul3A_542 : i32
      %swap3A = arith.index_cast %mul3A_543 : i32 to index
      %swap3A_544 = tpu.vector_load %arg11[%swap3A] {strides = array<i32>} : memref<512xf32, #tpu.memory_space<vmem>>, vector<16xf32>,
      tpu.vector_store %arg11[%swap3A], %add3A_541 {strides = array<i32>} : memref<512xf32, #tpu.memory_space<vmem>>, vector<16xf32>,
    }
    %scan3A_425 = arith.constant 32 : i32
    %mul3A_426 = arith.constant 8192 : i32
    %mul3A_427 = arith.muli %arg0, %mul3A_426 : i32
    %mul3A_428 = arith.constant 512 : i32
    %mul3A_429 = arith.muli %arg1, %mul3A_428 : i32
    %add3A_430 = arith.addi %mul3A_427, %mul3A_429 : i32
    "tpu.region"() ({
      %run_scoped3A = tpu.sem_alloc : memref<!tpu.dma_semaphore, #tpu.memory_space<semaphore_mem>>
      %dma_start3A_431 = tpu.memref_slice %arg4[%add3A_430] : memref<16384xf32, #tpu.memory_space<hbm>> -> memref<512xf32, #tpu.memory_space<hbm>>
      %dma_start3A_432 = tpu.memref_slice %arg4[%add3A_430] : memref<16384xf32, #tpu.memory_space<hbm>> -> memref<512xf32, #tpu.memory_space<hbm>>
      tpu.enqueue_dma source(%arg11 : memref<512xf32, #tpu.memory_space<vmem>>) target(%dma_start3A_432 : memref<512xf32, #tpu.memory_space<hbm>>) target_semaphore(%run_scoped3A : memref<!tpu.dma_semaphore, #tpu.memory_space<semaphore_mem>>)
      %dma_wait3A_433 = tpu.memref_slice %arg4[%add3A_430] : memref<16384xf32, #tpu.memory_space<hbm>> -> memref<512xf32, #tpu.memory_space<hbm>>
      %dma_wait3A_434 = tpu.memref_slice %arg4[%add3A_430] : memref<16384xf32, #tpu.memory_space<hbm>> -> memref<512xf32, #tpu.memory_space<hbm>>
      tpu.wait_dma2 semaphore(%run_scoped3A : memref<!tpu.dma_semaphore, #tpu.memory_space<semaphore_mem>>) src(%arg11 : memref<512xf32, #tpu.memory_space<vmem>>) dst(%dma_wait3A_434 : memref<512xf32, #tpu.memory_space<hbm>>)
      tpu.yield
    }) : () -> ()
    return
  }
}

</mosaic_0001>

<sc_bundles>
// kernel: kernel.3.cloned.1.call-start
scs
__scs_entry_jumppad:
0x0: {  	(pc) =	sbr.rel $0x88, $3  }
0x1: {  	(tag) =	ssettag $0x0;
	lr =	simm.s32 $0x1  }
0x2: {  	[smem:$0x3F9E] =	sst lr;
	_ =	strace $0xD0000000  }
0x3: {  	_ = 	snop  }
0x4: {  	_ = 	snop  }
0x5: {  	_ = 	snop  }
0x6: {  	_ = 	snop  }
0x7: {  	_ = 	snop  }
__scs_overlays_trampoline_lowered:
0x8: {  	[smem:$0x3FAD] =	sst s0  }
0x9: {  	[smem:$0x3FAE] =	sst s1  }
0xa: {  	[smem:$0x3FAF] =	sst s2  }
0xb: {  	[smem:$0x3FB0] =	sst s3  }
0xc: {  	[smem:$0x3FB1] =	sst s4  }
0xd: {  	[smem:$0x3FB2] =	sst s5  }
0xe: {  	[smem:$0x3FB3] =	sst s6  }
0xf: {  	[smem:$0x3FB4] =	sst s7  }
0x10: {  	[smem:$0x3FB5] =	sst s8  }
0x11: {  	[smem:$0x3FB6] =	sst s9;
	s0 =	simm.s32 @!p0 $0x0  }
0x12: {  	s1 =	sld [smem:$0x3F9C];
	s0 =	simm.s32 @p0 $0x1  }
0x13: {  	[smem:$0x3FB7] =	sst s0;
	s0 =	simm.s32 @!p1 $0x0  }
0x14: {  	s2 =	sld [smem:$0x3F9B];
	s0 =	simm.s32 @p1 $0x1  }
0x15: {  	[smem:$0x3FB8] =	sst s0;
	s0 =	simm.s32 @!p2 $0x0  }
0x16: {  	s3 =	sld [smem:$0x3FDB];
	s0 =	simm.s32 @p2 $0x1  }
0x17: {  	s4 =	simm.s32 $0x1BF5;
	[smem:$0x3FBA] =	sst s0  }
0x18: {  	s0 =	sld [smem:$0x3F9D];
	_ =	swait.ge [sflag:s4], $0x0  }
0x19: {  	s7 =	sld [smem:$0x3F9E]  }
0x1a: {  	s8 =	sadd.s32 $0xFFFFE003, lr  }
0x1b: {  	s9 =	sadd.s32 $0xFFFFFEF7, lr;
	s5 =	simm.s32 $0xFFFFFFFF;
	p2 =	slt.u32 s8, $0xFFFFF086  }
0x1c: {  	p1 =	slt.u32 s9, $0xF7A;
	s5 =	simm.s32 @!p2 $0x0  }
0x1d: {  	s5 =	simm.s32 @p1 $0x1;
	p0 =	seq.s32 s7, s2  }
0x1e: {  	s7 =	smul.u32 @!p0 $0xF7A, s2;
	p2 =	seq.s32 @!p0 s5, $0x0  }
0x1f: {  	s9 =	smul.u32 $0xF7A, s1;
	s8 =	simm.s32 @!p0 $0x1BF5;
	p2 =	por !p2, p0  }
0x20: {  	[sflag:s8] =	ssyncset.s32 @!p0 $0xFFFFF086;
	s6 =	sadd.s32 @!p0 s3, s7;
	s7 =	simm.s32 @!p0 $0x108  }
0x21: {  	s3 =	sadd.s32 s3, s9;
	s6 =	sadd.s32 @!p0 $0x88, s6;
	s7 =	simm.s32 @p2 $0x1082  }
0x22: {  	[simem:s7], [sflag:s8] =	dma.local @!p0 [hbm:s6], $0xF7A  }
0x23: {  	s9 =	sor.u32 $0xD0000000, s2;
	s6 =	simm.s32 $0x108;
	_ =	swait.ge @!p0 [sflag:s8], $0x0  }
0x24: {  	s3 =	sadd.s32 $0x88, s3;
	s6 =	simm.s32 @!p1 $0x1082;
	[sflag:s4] =	ssyncset.s32 $0xFFFFF086  }
0x25: {  	[simem:s6], [sflag:s4] =	dma.local [hbm:s3], $0xF7A  }
0x26: {  	[smem:$0x3F9E] =	sst s1;
	(tag) =	ssettag s2;
	_ =	strace s9  }
0x27: {  	s1 =	sld [smem:$0x3FAE]  }
0x28: {  	s2 =	sld [smem:$0x3FAF]  }
0x29: {  	s4 =	sld [smem:$0x3FB1]  }
0x2a: {  	p0 =	seq.s32 s5, $0x0;
	s5 =	sld [smem:$0x3FB2]  }
0x2b: {  	s6 =	sld [smem:$0x3FB3]  }
0x2c: {  	s7 =	sld [smem:$0x3FB4]  }
0x2d: {  	s3 =	simm.s32 $0x108;
	s8 =	sld [smem:$0x3FB5]  }
0x2e: {  	s3 =	simm.s32 @!p0 $0x1082;
	s9 =	sld [smem:$0x3FB6]  }
0x2f: {  	lr =	sadd.s32 s0, s3;
	s0 =	sld [smem:$0x3FAD]  }
0x30: {  	s3 =	sld [smem:$0x3FB0]  }
0x31: {  	[smem:$0x3FB9] =	sst s10  }
0x32: {  	s10 =	sld [smem:$0x3FB7];
	_ =	sdelay $0x3  }
0x33: {  	p0 =	seq.s32 s10, $0x1;
	s10 =	sld [smem:$0x3FB9];
	_ =	sdelay $0x3  }
0x34: {  	[smem:$0x3FB9] =	sst s10  }
0x35: {  	s10 =	sld [smem:$0x3FB8];
	_ =	sdelay $0x3  }
0x36: {  	p1 =	seq.s32 s10, $0x1;
	s10 =	sld [smem:$0x3FB9];
	_ =	sdelay $0x3  }
0x37: {  	[smem:$0x3FB9] =	sst s10  }
0x38: {  	s10 =	sld [smem:$0x3FBA]  }
0x39: {  	_ = 	snop;
	(pc) =	sbr.ind lr, $3  }
0x3a: {  	_ = 	snop  }
0x3b: {  	_ = 	snop  }
0x3c: {  	p2 =	seq.s32 s10, $0x1;
	s10 =	sld [smem:$0x3FB9]  }
0x3d: {  	_ =	shalt  }
0x3e: {  	_ =	shalt  }
0x3f: {  	_ =	shalt  }
0x40: {  	_ =	shalt  }
0x41: {  	_ =	shalt  }
0x42: {  	_ =	shalt  }
0x43: {  	_ =	shalt  }
0x44: {  	_ =	shalt  }
0x45: {  	_ =	shalt  }
0x46: {  	_ =	shalt  }
0x47: {  	_ =	shalt  }
0x48: {  	_ =	shalt  }
0x49: {  	_ =	shalt  }
0x4a: {  	_ =	shalt  }
0x4b: {  	_ =	shalt  }
0x4c: {  	_ =	shalt  }
0x4d: {  	_ =	shalt  }
0x4e: {  	_ =	shalt  }
0x4f: {  	_ =	shalt  }
0x50: {  	_ =	shalt  }
0x51: {  	_ =	shalt  }
0x52: {  	_ =	shalt  }
0x53: {  	_ =	shalt  }
0x54: {  	_ =	shalt  }
0x55: {  	_ =	shalt  }
0x56: {  	_ =	shalt  }
0x57: {  	_ =	shalt  }
0x58: {  	_ =	shalt  }
0x59: {  	_ =	shalt  }
0x5a: {  	_ =	shalt  }
0x5b: {  	_ =	shalt  }
0x5c: {  	_ =	shalt  }
0x5d: {  	_ =	shalt  }
0x5e: {  	_ =	shalt  }
0x5f: {  	_ =	shalt  }
0x60: {  	_ =	shalt  }
0x61: {  	_ =	shalt  }
0x62: {  	_ =	shalt  }
0x63: {  	_ =	shalt  }
0x64: {  	_ =	shalt  }
0x65: {  	_ =	shalt  }
0x66: {  	_ =	shalt  }
0x67: {  	_ =	shalt  }
0x68: {  	_ =	shalt  }
0x69: {  	_ =	shalt  }
0x6a: {  	_ =	shalt  }
0x6b: {  	_ =	shalt  }
0x6c: {  	_ =	shalt  }
0x6d: {  	_ =	shalt  }
0x6e: {  	_ =	shalt  }
0x6f: {  	_ =	shalt  }
0x70: {  	_ =	shalt  }
0x71: {  	_ =	shalt  }
0x72: {  	_ =	shalt  }
0x73: {  	_ =	shalt  }
0x74: {  	_ =	shalt  }
0x75: {  	_ =	shalt  }
0x76: {  	_ =	shalt  }
0x77: {  	_ =	shalt  }
0x78: {  	_ =	shalt  }
0x79: {  	_ =	shalt  }
0x7a: {  	_ =	shalt  }
0x7b: {  	_ =	shalt  }
0x7c: {  	_ =	shalt  }
0x7d: {  	_ =	shalt  }
0x7e: {  	_ =	shalt  }
0x7f: {  	_ =	shalt  }
0x80: {  	_ =	shalt  }
0x81: {  	_ =	shalt  }
0x82: {  	_ =	shalt  }
0x83: {  	_ =	shalt  }
0x84: {  	_ =	shalt  }
0x85: {  	_ =	shalt  }
0x86: {  	_ =	shalt  }
0x87: {  	_ =	shalt  }
.Lfunc_end0:
.L_simem_size_0:
called_computation_lowered:
.L_overlay_start_0:
0x88: {  	s2 =	sld [smem:$0x3FD9]  }
0x89: {  	s3 =	sld [smem:$0x3FFE];
	_ =	sdelay $0x1  }
0x8a: {  	s1 =	srdreg.scid  }
0x8b: {  	s0 =	sand.u32 $0x1, s1  }
0x8c: {  	s17 =	sshll.u32 s0, $0xA;
	s2 =	sadd.s32 s3, s2  }
0x8d: {  	s2 =	sadd.s32 s2, s17  }
0x8e: {  	[smem:$0x3FC5] =	sst s2  }
0x8f: {  	_ = 	snop  }
0x90: {  	s2 =	sld [smem:$0x3FD0];
	(tm) =	ssettm $0x1  }
0x91: {  	s18 =	sld [smem:$0x3FFB];
	_ =	sdelay $0x3  }
0x92: {  	_ =	strace s18  }
0x93: {  	s3 =	sld [smem:$0x3FFC];
	_ =	sdelay $0x3  }
0x94: {  	_ =	strace s3  }
0x95: {  	s3 =	sld [smem:$0x3FFD];
	_ =	sdelay $0x3  }
0x96: {  	_ =	strace s3  }
0x97: {  	_ =	strace $0x8FFFFFFF  }
0x98: {  	s19 =	sld [smem:$0x3FDB];
	_ =	sdelay $0x1  }
0x99: {  	s4 =	simm.s32 $_scs_section_size  }
0x9a: {  	s5 =	simm.s32 $_size__tile_overlayer_lowered;
	s6 =	simm.s32 $_tile_overlayer_lowered  }
0x9b: {  	s22 =	simm.s32 $0x1BFF;
	s21 =	sshll.u32 s6, $0x1;
	s3 =	sadd.s32 s4, s19  }
0x9c: {  	s7 =	simm.s32 $0x0;
	s20 =	sshll.u32 s5, $0x1;
	s5 =	sadd.s32 s21, s3  }
0x9d: {  	[timem:s7], [sflag:s22] =	dma.local [hbm:s5], s20  }
0x9e: {  	_ =	swait.ge [sflag:s22], s20  }
0x9f: {  	s4 =	ssub.s32 $0x0, s20;
	[sflag:s22] =	ssyncset.done $0x0  }
0xa0: {  	[sflag:s22] =	ssyncadd.s32 s4;
	_ =	sdelay $0x1  }
0xa1: {  	s23 =	simm.s32 $0x1B8B  }
0xa2: {  	_ =	swait.ge [sflag:s23], $0x1  }
0xa3: {  	[sflag:s23] =	ssyncset.done $0x0  }
0xa4: {  	s25 =	simm.s32 $0x1B8E;
	s24 =	sld [smem:$0x3FFE];
	[sflag:s23] =	ssyncadd.s32 $0xFFFFFFFF  }
0xa5: {  	s26 =	simm.s32 $execute0_lowered;
	[smem:$0x3FD2] =	sst s25  }
0xa6: {  	s5 =	sshll.u32 s26, $0x1;
	_ =	strace $0x80000046;
	[dreg:$0x1] =	wrdreg $0xFFFFFFFF  }
0xa7: {  	s28 =	simm.s32 $_size_execute0_lowered;
	s3 =	sadd.s32 s3, s5;
	[dreg:$0x0] =	wrdreg $0x0  }
0xa8: {  	s5 =	sshll.u32 s28, $0x1;
	[dreg:$0x2] =	wrdreg s3  }
0xa9: {  	[dreg:$0x3] =	wrdreg s5  }
0xaa: {  	[dreg:$0x4] =	wrdreg $0xC0  }
0xab: {  	_ =	task [dreg:s7], $0x5FFFF  }
0xac: {  	[dreg:$0x1] =	wrdreg $0xFFFFFFFF  }
0xad: {  	[dreg:$0x0] =	wrdreg $0x60  }
0xae: {  	[dreg:$0x2] =	wrdreg s24  }
0xaf: {  	[dreg:$0x3] =	wrdreg s2  }
0xb0: {  	[dreg:$0x4] =	wrdreg $0x1AF000  }
0xb1: {  	[dreg:$0x5] =	wrdreg $0x9  }
0xb2: {  	_ =	task.clear_ibuf [dreg:s7], $0x6FFFF;
	_ =	strace $0x90000046  }
0xb3: {  	s29 =	simm.s32 $0x9;
	_ =	strace $0x80000048  }
0xb4: {  	_ =	swait.ge [sflag:s29], $0x1  }
0xb5: {  	[sflag:s29] =	ssyncadd.s32 $0xFFFFFFFF  }
0xb6: {  	_ =	strace $0x90000048  }
0xb7: {  	_ =	sfence  }
0xb8: {  	s30 =	sld [smem:$0x0];
	_ =	sdelay $0x2  }
0xb9: {  	s31 =	sshll.u32 s1, $0xD;
	s1 =	sshrl.u32 s1, $0x2  }
0xba: {  	s3 =	sand.u32 $0x4000, s31;
	s1 =	sadd.s32 s1, s30  }
0xbb: {  	s0 =	sor.u32 s3, s0;
	s1 =	sshll.u32 s1, $0x11  }
0xbc: {  	s0 =	sor.u32 s1, s0  }
0xbd: {  	s0 =	sadd.s32 $0x8F2B, s0  }
0xbe: {  	[sflag:s0] =	ssyncadd.remote.s32 $0x1  }
0xbf: {  	_ =	sfence.sel $0xFFFF  }
0xc0: {  	[dreg:$0x0] =	wrdreg $0xFFFFFFFF;
	(pc) =	sbr.abs _section_cstart, $3  }
0xc1: {  	[dreg:$0x1] =	wrdreg $0xFFFFFFFF  }
0xc2: {  	_ =	task.clear_ibuf [dreg:s7], $0x2FFFF;
	_ =	strace $0x9FFFFFFF  }
0xc3: {  	(tm) =	ssettm $0x7FFFFFFF  }
tec
execute0_lowered:
.L_overlay_start_1:
0x0: {  	(tag) =	ssettag $0x1  }
0x1: {  	s0 =	rddreg [dreg:$0x0]  }
0x2: {  	s1 =	rddreg [dreg:$0x1]  }
0x3: {  	s3 =	rddreg [dreg:$0x2]  }
0x4: {  	s4 =	srdreg.scid;
	s2 =	simm.s32 $0x0;
	s10 =	stileid.u32  }
0x5: {  	s4 =	sand.u32 $0x1, s4;
	[smem:$0x7FF] =	sst s2;
	s7 =	smul.u32 $0x963E, s10  }
0x6: {  	s8 =	sadd.s32 $0xD000, s0;
	s19 =	sor.u32 $0x10, s10;
	s20 =	sshll.u32 s10, $0xE  }
0x7: {  	s5 =	ssub.s32 $0x2, s4;
	_ =	strace $0x80000047;
	s9 =	smul.u32 $0x963E, s19  }
0x8: {  	s6 =	sshrl.u32 s5, $0x1;
	s22 =	sand.u32 $0x6, s7;
	s7 =	sshrl.u32 s7, $0x3  }
0x9: {  	s4 =	sshll.u32 s4, $0xD;
	s5 =	ssub.s32 s5, s6;
	s11 =	sadd.s32 s8, s7  }
0xa: {  	s9 =	sshrl.u32 s9, $0x3;
	[dreg:$0x4] =	wrdreg s11;
	s11 =	sadd.s32 $0x12C8, s11  }
0xb: {  	s7 =	sor.u32 s4, s20;
	s8 =	sadd.s32 s8, s9;
	[dreg:$0x5] =	wrdreg s11  }
0xc: {  	s7 =	sshrl.u32 s7, $0x3;
	s16 =	smax.u32 s5, $0x1;
	[dreg:$0x6] =	wrdreg s8  }
0xd: {  	s24 =	sshll.u32 s10, $0x9;
	s7 =	sadd.s32 s0, s7;
	[dreg:$0x17] =	wrdreg s16  }
0xe: {  	s9 =	sadd.s32 s24, s3;
	s21 =	sadd.s32 $0x12C8, s8;
	[dreg:$0x7] =	wrdreg s7  }
0xf: {  	s26 =	sadd.s32 $0x2000, s9;
	[dreg:$0x8] =	wrdreg s21  }
0x10: {  	s28 =	sadd.s32 $0x4000, s9;
	[dreg:$0xb] =	wrdreg s26  }
0x11: {  	s29 =	sadd.s32 $0x6000, s9;
	[dreg:$0xc] =	wrdreg s28  }
0x12: {  	s11 =	sadd.s32 $0xE000, s9;
	[dreg:$0xd] =	wrdreg s29  }
0x13: {  	s12 =	sadd.s32 $0x10000, s9;
	[dreg:$0x11] =	wrdreg s11  }
0x14: {  	s13 =	sadd.s32 $0x12000, s9;
	[dreg:$0x12] =	wrdreg s12  }
0x15: {  	s14 =	sadd.s32 $0x14000, s9;
	[dreg:$0x13] =	wrdreg s13  }
0x16: {  	s15 =	sadd.s32 $0x16000, s9;
	[dreg:$0x14] =	wrdreg s14  }
0x17: {  	s17 =	sadd.s32 $0x18000, s9;
	[dreg:$0x16] =	wrdreg s15  }
0x18: {  	s18 =	sadd.s32 $0x1A000, s9;
	[dreg:$0x18] =	wrdreg s17  }
0x19: {  	s6 =	sshll.u32 s19, $0xE;
	s19 =	sadd.s32 $0x1C000, s9;
	[dreg:$0x19] =	wrdreg s18  }
0x1a: {  	s23 =	smul.u32 $0x6, s10;
	s20 =	sadd.s32 $0x1E000, s9;
	[dreg:$0x1a] =	wrdreg s19  }
0x1b: {  	s8 =	sor.u32 s24, s4;
	s24 =	sadd.s32 $0x100, s9;
	[dreg:$0x1b] =	wrdreg s20  }
0x1c: {  	s6 =	sor.u32 s4, s6;
	s4 =	sadd.s32 $0x4180, s9;
	[dreg:$0x1d] =	wrdreg s24  }
0x1d: {  	s25 =	sshll.u32 s10, $0xD;
	s5 =	sadd.s32 $0x6080, s9;
	[smem:$0x7E8] =	sst s4  }
0x1e: {  	p0 =	sgt.u32 s10, $0x9;
	s10 =	sadd.s32 $0x8100, s9;
	[smem:$0x7E9] =	sst s5  }
0x1f: {  	s6 =	sshrl.u32 s6, $0x3;
	s16 =	sadd.s32 $0xC100, s9;
	[smem:$0x7ED] =	sst s10  }
0x20: {  	s0 =	sadd.s32 s0, s6;
	[smem:$0x7F3] =	sst s16  }
0x21: {  	s6 =	sadd.s32 $0xA000, s9;
	[dreg:$0x9] =	wrdreg s0  }
0x22: {  	s7 =	sadd.s32 $0xC000, s9;
	[dreg:$0xf] =	wrdreg s6  }
0x23: {  	s21 =	sadd.s32 $0x80, s9;
	[dreg:$0x10] =	wrdreg s7  }
0x24: {  	s26 =	sadd.s32 $0x2080, s9;
	[dreg:$0x1c] =	wrdreg s21  }
0x25: {  	s28 =	sadd.s32 $0x2100, s9;
	[dreg:$0x1f] =	wrdreg s26  }
0x26: {  	s29 =	sadd.s32 $0x2180, s9;
	[smem:$0x7E4] =	sst s28  }
0x27: {  	s23 =	sand.u32 $0x6, s23;
	s11 =	sadd.s32 $0x8180, s9;
	[smem:$0x7E5] =	sst s29  }
0x28: {  	v0 =	vmov s22;
	s22 =	simm.s32 $0x5;
	s12 =	sadd.s32 $0xA080, s9;
	[smem:$0x7EE] =	sst s11  }
0x29: {  	v1 =	vmov s23;
	s23 =	simm.s32 $0x0;
	s13 =	sadd.s32 $0xA100, s9;
	[smem:$0x7EF] =	sst s12  }
0x2a: {  	s30 =	sadd.s32 $0x14080, s9;
	s14 =	sadd.s32 $0xA180, s9;
	[smem:$0x7F0] =	sst s13  }
0x2b: {  	s31 =	sadd.s32 $0x14100, s9;
	s15 =	sadd.s32 $0xC080, s9;
	[smem:$0x7F1] =	sst s14  }
0x2c: {  	s17 =	sadd.s32 $0xC180, s9;
	s18 =	sadd.s32 $0xE080, s9;
	[smem:$0x7F2] =	sst s15  }
0x2d: {  	s19 =	sadd.s32 $0xE100, s9;
	s20 =	sadd.s32 $0xE180, s9;
	[smem:$0x7F4] =	sst s17  }
0x2e: {  	s24 =	sadd.s32 $0x10100, s9;
	s4 =	sadd.s32 $0x16100, s9;
	[smem:$0x7F5] =	sst s18  }
0x2f: {  	s10 =	sadd.s32 $0x1A080, s9;
	s5 =	sadd.s32 $0x1E080, s9;
	[smem:$0x7F6] =	sst s19  }
0x30: {  	s16 =	sadd.s32 $0x1E100, s9;
	s0 =	sadd.s32 s25, s3;
	[smem:$0x7F7] =	sst s20  }
0x31: {  	s3 =	sadd.s32 $0x8000, s9;
	s25 =	sadd.s32 $0x180, s9;
	[smem:$0x7F9] =	sst s24  }
0x32: {  	s6 =	sadd.s32 $0x6100, s9;
	s7 =	sadd.s32 $0x6180, s9;
	[dreg:$0xa] =	wrdreg s0  }
0x33: {  	s21 =	sadd.s32 $0x10080, s9;
	s26 =	sadd.s32 $0x12080, s9;
	[dreg:$0xe] =	wrdreg s3  }
0x34: {  	s28 =	sadd.s32 $0x12100, s9;
	s29 =	sadd.s32 $0x12180, s9;
	[dreg:$0x1e] =	wrdreg s25  }
0x35: {  	s11 =	sadd.s32 $0x1A100, s9;
	s12 =	sadd.s32 $0x1A180, s9;
	[smem:$0x7EA] =	sst s6  }
0x36: {  	s13 =	sadd.s32 $0x1C080, s9;
	s14 =	sadd.s32 $0x1C100, s9;
	[smem:$0x7EB] =	sst s7  }
0x37: {  	s15 =	sadd.s32 $0x1C180, s9;
	s17 =	sadd.s32 $0x1E180, s9;
	[smem:$0x7F8] =	sst s21  }
0x38: {  	s18 =	simm.s32 $0x1;
	s19 =	simm.s32 $0x3;
	[smem:$0x7FB] =	sst s26  }
0x39: {  	s20 =	simm.s32 $0x9680;
	s0 =	sshrl.u32 s8, $0x3;
	[smem:$0x7FC] =	sst s28  }
0x3a: {  	s3 =	sadd.s32 $0x4100, s9;
	s8 =	sadd.s32 $0x8080, s9;
	[smem:$0x7FD] =	sst s29  }
0x3b: {  	s25 =	sadd.s32 $0x10180, s9;
	s6 =	sadd.s32 $0x16180, s9;
	[smem:$0x7E7] =	sst s3  }
0x3c: {  	s7 =	sadd.s32 $0x18080, s9;
	s21 =	simm.s32 $0x6;
	[smem:$0x7EC] =	sst s8  }
0x3d: {  	s0 =	sadd.s32 s1, s0;
	s1 =	sadd.s32 $0x4080, s9;
	[smem:$0x7FA] =	sst s25  }
0x3e: {  	s8 =	sadd.s32 $0x18100, s9;
	s3 =	sadd.s32 $0x18180, s9;
	[dreg:$0x15] =	wrdreg s0  }
0x3f: {  	[smem:$0x7E6] =	sst s1;
	s0 =	sadd.s32 $0x14180, s9;
	s1 =	sadd.s32 $0x16080, s9  }
.LBB2_1:
0x40: {  	s24 =	rddreg [dreg:$0x4]  }
0x41: {  	[tilespmem:s2], [sflag:$0x1] =	stream.linear.gather [hbm4b:s24+s2], $0x9640, $0x38;
	[tilespmem:$0x1CF00] =	vst v63  }
0x42: {  	s29 =	rddreg [dreg:$0x5];
	s25 =	simm.s32 $0x9640  }
0x43: {  	[tilespmem:s25], [sflag:$0x1] =	stream.linear.gather [hbm4b:s29+s2], $0x8, $0x38;
	[tilespmem:$0x1CF00] =	vst v63  }
0x44: {  	s26 =	rddreg [dreg:$0x7];
	s29 =	simm.s32 $0x12D00  }
0x45: {  	[tilespmem:s29], [sflag:$0x3] =	stream.linear.gather [hbm4b:s26+s2], $0x2000, $0x38;
	[tilespmem:$0x1CF00] =	vst v63  }
0x46: {  	s24 =	simm.s32 @!p0 $0x0;
	s25 =	simm.s32 @!p0 $0x9680;
	s26 =	rddreg [dreg:$0x6]  }
0x47: {  	[tilespmem:s25], [sflag:$0x2] =	stream.linear.gather @!p0 [hbm4b:s26+s24], $0x9640, $0x38;
	[tilespmem:$0x1CF00] =	vst v63  }
0x48: {  	s25 =	simm.s32 @!p0 $0x2  }
0x49: {  	_ =	swait.ge @!p0 [sflag:s25], $0x9640  }
0x4a: {  	[sflag:s25] =	ssyncset.done @!p0 $0x0  }
0x4b: {  	s26 =	simm.s32 @!p0 $0x12CC0;
	s28 =	rddreg [dreg:$0x8];
	[sflag:s25] =	ssyncadd.s32 @!p0 $0xFFFF69C0  }
0x4c: {  	[tilespmem:s26], [sflag:$0x2] =	stream.linear.gather @!p0 [hbm4b:s28+s24], $0x8, $0x38;
	[tilespmem:$0x1CF00] =	vst v63  }
0x4d: {  	_ =	swait.ge @!p0 [sflag:s25], $0x8  }
0x4e: {  	[sflag:s25] =	ssyncset.done @!p0 $0x0  }
0x4f: {  	s26 =	rddreg [dreg:$0x9];
	[sflag:s25] =	ssyncadd.s32 @!p0 $0xFFFFFFF8;
	s25 =	simm.s32 @!p0 $0x14D00  }
0x50: {  	[tilespmem:s25], [sflag:$0x4] =	stream.linear.gather @!p0 [hbm4b:s26+s24], $0x2000, $0x38;
	[tilespmem:$0x1CF00] =	vst v63  }
0x51: {  	s24 =	simm.s32 @!p0 $0x4  }
0x52: {  	_ =	swait.ge @!p0 [sflag:s24], $0x2000  }
0x53: {  	[sflag:s24] =	ssyncset.done @!p0 $0x0  }
0x54: {  	[sflag:s24] =	ssyncadd.s32 @!p0 $0xFFFFE000  }
0x55: {  	_ =	swait.ge [sflag:s18], $0x9640  }
0x56: {  	[sflag:s18] =	ssyncset.done $0x0  }
0x57: {  	[sflag:s18] =	ssyncadd.s32 $0xFFFF69C0  }
0x58: {  	_ =	swait.ge [sflag:s18], $0x8  }
0x59: {  	[sflag:s18] =	ssyncset.done $0x0  }
0x5a: {  	[sflag:s18] =	ssyncadd.s32 $0xFFFFFFF8  }
0x5b: {  	_ =	swait.ge [sflag:s19], $0x2000  }
0x5c: {  	[sflag:s19] =	ssyncset.done $0x0  }
0x5d: {  	s25 =	simm.s32 $0x0;
	[sflag:s19] =	ssyncadd.s32 $0xFFFFE000  }
0x5e: {  	v2 =	vld [tilespmem:s25+$0x12D00];
	_ =	sdelay $0x4  }
0x5f: {  	s24 =	simm.s32 $0x10;
	v2 =	vadd.s32 v0, v2  }
0x60: {  	v4 =	vld [tilespmem:s24+$0x12D00];
	_ =	sdelay $0x3  }
0x61: {  	v3 =	vld.idx.msk [tilespmem:v2+s2+$0x0], $0xffff  }
0x62: {  	v2 =	vadd.s32 v0, v4  }
0x63: {  	s28 =	simm.s32 $0xC0;
	s26 =	simm.s32 $0x20  }
.LBB2_2:
0x64: {  	p1 =	sne.s32 s28, $0x7FC0;
	v4 =	vld [tilespmem:s26+$0x12D00];
	_ =	sdelay $0x1  }
.Ltmp0:
0x65: {  	[tilespmem:s25+$0x16D00] =	vst v3;
	s25 =	smov.u32 s24;
	s24 =	smov.u32 s26;
	(pc) =	sbr.rel @p1 .LBB2_2-.Ltmp0, $3  }
0x66: {  	v3 =	vld.idx.msk [tilespmem:v2+s2+$0x0], $0xffff;
	_ =	sdelay $0x1  }
0x67: {  	v2 =	vadd.s32 v0, v4  }
0x68: {  	s26 =	sshra.s32 s28, $0x2;
	s28 =	sadd.s32 $0x40, s28  }
0x69: {  	v4 =	vld [tilespmem:s26+$0x12D00];
	_ =	sdelay $0x2  }
0x6a: {  	[tilespmem:s25+$0x16D00] =	vst v3  }
0x6b: {  	v2 =	vld.idx.msk [tilespmem:v2+s2+$0x0], $0xffff  }
0x6c: {  	v3 =	vadd.s32 v0, v4;
	_ =	sdelay $0x3  }
0x6d: {  	[tilespmem:s24+$0x16D00] =	vst v2  }
0x6e: {  	v2 =	vld.idx.msk [tilespmem:v3+s2+$0x0], $0xffff  }
.Ltmp1:
0x6f: {  	_ = 	snop;
	(pc) =	sbr.rel @p0 .LBB2_7-.Ltmp1, $2  }
0x70: {  	_ =	sdelay $0x2  }
0x71: {  	s24 =	simm.s32 $0x0;
	[tilespmem:s26+$0x16D00] =	vst v2  }
0x72: {  	s26 =	simm.s32 $0x0  }
0x73: {  	v2 =	vld [tilespmem:s26+$0x14D00];
	_ =	sdelay $0x4  }
0x74: {  	v2 =	vadd.s32 v1, v2;
	_ =	sdelay $0x1  }
0x75: {  	s25 =	simm.s32 $0x10  }
0x76: {  	v3 =	vld [tilespmem:s25+$0x14D00]  }
0x77: {  	v5 =	vld [tilespmem:s26+$0x16D00]  }
0x78: {  	v4 =	vld.idx.msk [tilespmem:v2+s20+$0x0], $0xffff;
	_ =	sdelay $0x2  }
0x79: {  	v2 =	vadd.s32 v1, v3;
	_ =	sdelay $0x1  }
0x7a: {  	v3 =	vadd.f32 v4, v5  }
0x7b: {  	s29 =	simm.s32 $0x20;
	s28 =	simm.s32 $0xC0  }
.LBB2_5:
0x7c: {  	p1 =	sne.s32 s28, $0x7FC0;
	v4 =	vld [tilespmem:s29+$0x14D00];
	[tilespmem:s26+$0x16D00] =	vst v3;
	s26 =	smov.u32 s25;
	s25 =	smov.u32 s29  }
0x7d: {  	v3 =	vld.idx.msk [tilespmem:v2+s20+$0x0], $0xffff  }
0x7e: {  	v5 =	vld [tilespmem:s26+$0x16D00];
	_ =	sdelay $0x1  }
.Ltmp2:
0x7f: {  	(pc) =	sbr.rel @p1 .LBB2_5-.Ltmp2, $3  }
0x80: {  	v2 =	vadd.s32 v1, v4;
	_ =	sdelay $0x1  }
0x81: {  	v3 =	vadd.f32 v3, v5  }
0x82: {  	s29 =	sshra.s32 s28, $0x2;
	s28 =	sadd.s32 $0x40, s28  }
0x83: {  	_ =	sdelay $0x2  }
0x84: {  	v4 =	vld [tilespmem:s29+$0x14D00];
	[tilespmem:s26+$0x16D00] =	vst v3  }
0x85: {  	v2 =	vld.idx.msk [tilespmem:v2+s20+$0x0], $0xffff  }
0x86: {  	v3 =	vld [tilespmem:s25+$0x16D00];
	_ =	sdelay $0x3  }
0x87: {  	v4 =	vadd.s32 v1, v4  }
0x88: {  	v2 =	vadd.f32 v2, v3;
	_ =	sdelay $0x1  }
0x89: {  	[tilespmem:s25+$0x16D00] =	vst v2  }
0x8a: {  	v3 =	vld [tilespmem:s29+$0x16D00]  }
0x8b: {  	v2 =	vld.idx.msk [tilespmem:v4+s20+$0x0], $0xffff;
	_ =	sdelay $0x4  }
0x8c: {  	v2 =	vadd.f32 v2, v3;
	_ =	sdelay $0x1  }
0x8d: {  	[tilespmem:s29+$0x16D00] =	vst v2  }
.LBB2_7:
0x8e: {  	s25 =	rddreg [dreg:$0xa];
	s26 =	simm.s32 $0x16D00  }
0x8f: {  	[spmem:s25] =	stream.linear.scatter [tilespmem:s26], [sflag:$0x6], $0x2000, $0x38;
	[tilespmem:$0x1CF00] =	vst v63  }
0x90: {  	_ =	swait.ge [sflag:s21], $0x2000  }
0x91: {  	[sflag:s21] =	ssyncset.done $0x0  }
0x92: {  	[sflag:s21] =	ssyncadd.s32 $0xFFFFE000  }
0x93: {  	s29 =	simm.s32 $0x18D00;
	[bflag:$0x0] =	sbarrier.arrive $0xFFFF  }
0x94: {  	[tilespmem:s29], [sflag:$0x5] =	stream.linear.gather [spmem:s9], $0x80, $0x38;
	[tilespmem:$0x1CF00] =	vst v63  }
0x95: {  	s26 =	rddreg [dreg:$0x1c];
	s29 =	simm.s32 $0x19100  }
0x96: {  	[tilespmem:s29], [sflag:$0x5] =	stream.linear.gather [spmem:s26], $0x80, $0x38;
	[tilespmem:$0x1CF00] =	vst v63  }
0x97: {  	s26 =	rddreg [dreg:$0x1d];
	s29 =	simm.s32 $0x19500  }
0x98: {  	[tilespmem:s29], [sflag:$0x5] =	stream.linear.gather [spmem:s26], $0x80, $0x38;
	[tilespmem:$0x1CF00] =	vst v63  }
0x99: {  	s26 =	rddreg [dreg:$0x1e];
	s29 =	simm.s32 $0x19900  }
0x9a: {  	[tilespmem:s29], [sflag:$0x5] =	stream.linear.gather [spmem:s26], $0x80, $0x38;
	[tilespmem:$0x1CF00] =	vst v63  }
0x9b: {  	s26 =	rddreg [dreg:$0xb];
	s29 =	simm.s32 $0x18D80  }
0x9c: {  	[tilespmem:s29], [sflag:$0x5] =	stream.linear.gather [spmem:s26], $0x80, $0x38;
	[tilespmem:$0x1CF00] =	vst v63  }
0x9d: {  	s26 =	rddreg [dreg:$0x1f];
	s29 =	simm.s32 $0x19180  }
0x9e: {  	[tilespmem:s29], [sflag:$0x5] =	stream.linear.gather [spmem:s26], $0x80, $0x38;
	[tilespmem:$0x1CF00] =	vst v63  }
0x9f: {  	s26 =	sld [smem:$0x7E4];
	_ =	sdelay $0x1  }
0xa0: {  	s29 =	simm.s32 $0x19580  }
0xa1: {  	[tilespmem:s29], [sflag:$0x5] =	stream.linear.gather [spmem:s26], $0x80, $0x38;
	[tilespmem:$0x1CF00] =	vst v63  }
0xa2: {  	s26 =	sld [smem:$0x7E5];
	_ =	sdelay $0x1  }
0xa3: {  	s29 =	simm.s32 $0x19980  }
0xa4: {  	[tilespmem:s29], [sflag:$0x5] =	stream.linear.gather [spmem:s26], $0x80, $0x38;
	[tilespmem:$0x1CF00] =	vst v63  }
0xa5: {  	s26 =	rddreg [dreg:$0xc];
	s29 =	simm.s32 $0x18E00  }
0xa6: {  	[tilespmem:s29], [sflag:$0x5] =	stream.linear.gather [spmem:s26], $0x80, $0x38;
	[tilespmem:$0x1CF00] =	vst v63  }
0xa7: {  	s26 =	sld [smem:$0x7E6];
	_ =	sdelay $0x1  }
0xa8: {  	s29 =	simm.s32 $0x19200  }
0xa9: {  	[tilespmem:s29], [sflag:$0x5] =	stream.linear.gather [spmem:s26], $0x80, $0x38;
	[tilespmem:$0x1CF00] =	vst v63  }
0xaa: {  	s26 =	sld [smem:$0x7E7];
	_ =	sdelay $0x1  }
0xab: {  	s29 =	simm.s32 $0x19600  }
0xac: {  	[tilespmem:s29], [sflag:$0x5] =	stream.linear.gather [spmem:s26], $0x80, $0x38;
	[tilespmem:$0x1CF00] =	vst v63  }
0xad: {  	s26 =	sld [smem:$0x7E8];
	_ =	sdelay $0x1  }
0xae: {  	s29 =	simm.s32 $0x19A00  }
0xaf: {  	[tilespmem:s29], [sflag:$0x5] =	stream.linear.gather [spmem:s26], $0x80, $0x38;
	[tilespmem:$0x1CF00] =	vst v63  }
0xb0: {  	s26 =	rddreg [dreg:$0xd];
	s29 =	simm.s32 $0x18E80  }
0xb1: {  	[tilespmem:s29], [sflag:$0x5] =	stream.linear.gather [spmem:s26], $0x80, $0x38;
	[tilespmem:$0x1CF00] =	vst v63  }
0xb2: {  	s26 =	sld [smem:$0x7E9];
	_ =	sdelay $0x1  }
0xb3: {  	s29 =	simm.s32 $0x19280  }
0xb4: {  	[tilespmem:s29], [sflag:$0x5] =	stream.linear.gather [spmem:s26], $0x80, $0x38;
	[tilespmem:$0x1CF00] =	vst v63  }
0xb5: {  	s26 =	sld [smem:$0x7EA];
	_ =	sdelay $0x1  }
0xb6: {  	s29 =	simm.s32 $0x19680  }
0xb7: {  	[tilespmem:s29], [sflag:$0x5] =	stream.linear.gather [spmem:s26], $0x80, $0x38;
	[tilespmem:$0x1CF00] =	vst v63  }
0xb8: {  	s26 =	sld [smem:$0x7EB];
	_ =	sdelay $0x1  }
0xb9: {  	s29 =	simm.s32 $0x19A80  }
0xba: {  	[tilespmem:s29], [sflag:$0x5] =	stream.linear.gather [spmem:s26], $0x80, $0x38;
	[tilespmem:$0x1CF00] =	vst v63  }
0xbb: {  	s26 =	rddreg [dreg:$0xe];
	s29 =	simm.s32 $0x18F00  }
0xbc: {  	[tilespmem:s29], [sflag:$0x5] =	stream.linear.gather [spmem:s26], $0x80, $0x38;
	[tilespmem:$0x1CF00] =	vst v63  }
0xbd: {  	s26 =	sld [smem:$0x7EC];
	_ =	sdelay $0x1  }
0xbe: {  	s29 =	simm.s32 $0x19300  }
0xbf: {  	[tilespmem:s29], [sflag:$0x5] =	stream.linear.gather [spmem:s26], $0x80, $0x38;
	[tilespmem:$0x1CF00] =	vst v63  }
0xc0: {  	s26 =	sld [smem:$0x7ED];
	_ =	sdelay $0x1  }
0xc1: {  	s29 =	simm.s32 $0x19700  }
0xc2: {  	[tilespmem:s29], [sflag:$0x5] =	stream.linear.gather [spmem:s26], $0x80, $0x38;
	[tilespmem:$0x1CF00] =	vst v63  }
0xc3: {  	s26 =	sld [smem:$0x7EE];
	_ =	sdelay $0x1  }
0xc4: {  	s29 =	simm.s32 $0x19B00  }
0xc5: {  	[tilespmem:s29], [sflag:$0x5] =	stream.linear.gather [spmem:s26], $0x80, $0x38;
	[tilespmem:$0x1CF00] =	vst v63  }
0xc6: {  	s26 =	rddreg [dreg:$0xf];
	s29 =	simm.s32 $0x18F80  }
0xc7: {  	[tilespmem:s29], [sflag:$0x5] =	stream.linear.gather [spmem:s26], $0x80, $0x38;
	[tilespmem:$0x1CF00] =	vst v63  }
0xc8: {  	s26 =	sld [smem:$0x7EF];
	_ =	sdelay $0x1  }
0xc9: {  	s29 =	simm.s32 $0x19380  }
0xca: {  	[tilespmem:s29], [sflag:$0x5] =	stream.linear.gather [spmem:s26], $0x80, $0x38;
	[tilespmem:$0x1CF00] =	vst v63  }
0xcb: {  	s26 =	sld [smem:$0x7F0];
	_ =	sdelay $0x1  }
0xcc: {  	s29 =	simm.s32 $0x19780  }
0xcd: {  	[tilespmem:s29], [sflag:$0x5] =	stream.linear.gather [spmem:s26], $0x80, $0x38;
	[tilespmem:$0x1CF00] =	vst v63  }
0xce: {  	s26 =	sld [smem:$0x7F1];
	_ =	sdelay $0x1  }
0xcf: {  	s29 =	simm.s32 $0x19B80  }
0xd0: {  	[tilespmem:s29], [sflag:$0x5] =	stream.linear.gather [spmem:s26], $0x80, $0x38;
	[tilespmem:$0x1CF00] =	vst v63  }
0xd1: {  	s26 =	rddreg [dreg:$0x10];
	s29 =	simm.s32 $0x19000  }
0xd2: {  	[tilespmem:s29], [sflag:$0x5] =	stream.linear.gather [spmem:s26], $0x80, $0x38;
	[tilespmem:$0x1CF00] =	vst v63  }
0xd3: {  	s26 =	sld [smem:$0x7F2];
	_ =	sdelay $0x1  }
0xd4: {  	s29 =	simm.s32 $0x19400  }
0xd5: {  	[tilespmem:s29], [sflag:$0x5] =	stream.linear.gather [spmem:s26], $0x80, $0x38;
	[tilespmem:$0x1CF00] =	vst v63  }
0xd6: {  	s26 =	sld [smem:$0x7F3];
	_ =	sdelay $0x1  }
0xd7: {  	s29 =	simm.s32 $0x19800  }
0xd8: {  	[tilespmem:s29], [sflag:$0x5] =	stream.linear.gather [spmem:s26], $0x80, $0x38;
	[tilespmem:$0x1CF00] =	vst v63  }
0xd9: {  	s26 =	sld [smem:$0x7F4];
	_ =	sdelay $0x1  }
0xda: {  	s29 =	simm.s32 $0x19C00  }
0xdb: {  	[tilespmem:s29], [sflag:$0x5] =	stream.linear.gather [spmem:s26], $0x80, $0x38;
	[tilespmem:$0x1CF00] =	vst v63  }
0xdc: {  	s26 =	rddreg [dreg:$0x11];
	s29 =	simm.s32 $0x19080  }
0xdd: {  	[tilespmem:s29], [sflag:$0x5] =	stream.linear.gather [spmem:s26], $0x80, $0x38;
	[tilespmem:$0x1CF00] =	vst v63  }
0xde: {  	s26 =	sld [smem:$0x7F5];
	_ =	sdelay $0x1  }
0xdf: {  	s29 =	simm.s32 $0x19480  }
0xe0: {  	[tilespmem:s29], [sflag:$0x5] =	stream.linear.gather [spmem:s26], $0x80, $0x38;
	[tilespmem:$0x1CF00] =	vst v63  }
0xe1: {  	s26 =	sld [smem:$0x7F6];
	_ =	sdelay $0x1  }
0xe2: {  	s29 =	simm.s32 $0x19880  }
0xe3: {  	[tilespmem:s29], [sflag:$0x5] =	stream.linear.gather [spmem:s26], $0x80, $0x38;
	[tilespmem:$0x1CF00] =	vst v63  }
0xe4: {  	s26 =	sld [smem:$0x7F7];
	_ =	sdelay $0x1  }
0xe5: {  	s29 =	simm.s32 $0x19C80  }
0xe6: {  	[tilespmem:s29], [sflag:$0x5] =	stream.linear.gather [spmem:s26], $0x80, $0x38;
	[tilespmem:$0x1CF00] =	vst v63  }
0xe7: {  	s26 =	rddreg [dreg:$0x12];
	s29 =	simm.s32 $0x19D00  }
0xe8: {  	[tilespmem:s29], [sflag:$0x5] =	stream.linear.gather [spmem:s26], $0x80, $0x38;
	[tilespmem:$0x1CF00] =	vst v63  }
0xe9: {  	s26 =	sld [smem:$0x7F8];
	_ =	sdelay $0x1  }
0xea: {  	s29 =	simm.s32 $0x1A100  }
0xeb: {  	[tilespmem:s29], [sflag:$0x5] =	stream.linear.gather [spmem:s26], $0x80, $0x38;
	[tilespmem:$0x1CF00] =	vst v63  }
0xec: {  	s26 =	sld [smem:$0x7F9];
	_ =	sdelay $0x1  }
0xed: {  	s29 =	simm.s32 $0x1A500  }
0xee: {  	[tilespmem:s29], [sflag:$0x5] =	stream.linear.gather [spmem:s26], $0x80, $0x38;
	[tilespmem:$0x1CF00] =	vst v63  }
0xef: {  	s26 =	sld [smem:$0x7FA];
	_ =	sdelay $0x1  }
0xf0: {  	s29 =	simm.s32 $0x1A900  }
0xf1: {  	[tilespmem:s29], [sflag:$0x5] =	stream.linear.gather [spmem:s26], $0x80, $0x38;
	[tilespmem:$0x1CF00] =	vst v63  }
0xf2: {  	s26 =	rddreg [dreg:$0x13];
	s29 =	simm.s32 $0x19D80  }
0xf3: {  	[tilespmem:s29], [sflag:$0x5] =	stream.linear.gather [spmem:s26], $0x80, $0x38;
	[tilespmem:$0x1CF00] =	vst v63  }
0xf4: {  	s26 =	sld [smem:$0x7FB];
	_ =	sdelay $0x1  }
0xf5: {  	s29 =	simm.s32 $0x1A180  }
0xf6: {  	[tilespmem:s29], [sflag:$0x5] =	stream.linear.gather [spmem:s26], $0x80, $0x38;
	[tilespmem:$0x1CF00] =	vst v63  }
0xf7: {  	s26 =	sld [smem:$0x7FC];
	_ =	sdelay $0x1  }
0xf8: {  	s29 =	simm.s32 $0x1A580  }
0xf9: {  	[tilespmem:s29], [sflag:$0x5] =	stream.linear.gather [spmem:s26], $0x80, $0x38;
	[tilespmem:$0x1CF00] =	vst v63  }
0xfa: {  	s26 =	sld [smem:$0x7FD];
	_ =	sdelay $0x1  }
0xfb: {  	s29 =	simm.s32 $0x1A980  }
0xfc: {  	[tilespmem:s29], [sflag:$0x5] =	stream.linear.gather [spmem:s26], $0x80, $0x38;
	[tilespmem:$0x1CF00] =	vst v63  }
0xfd: {  	s26 =	rddreg [dreg:$0x14];
	s29 =	simm.s32 $0x19E00  }
0xfe: {  	[tilespmem:s29], [sflag:$0x5] =	stream.linear.gather [spmem:s26], $0x80, $0x38;
	[tilespmem:$0x1CF00] =	vst v63  }
0xff: {  	s29 =	simm.s32 $0x1A200  }
0x100: {  	[tilespmem:s29], [sflag:$0x5] =	stream.linear.gather [spmem:s30], $0x80, $0x38;
	[tilespmem:$0x1CF00] =	vst v63  }
0x101: {  	s26 =	simm.s32 $0x1A600  }
0x102: {  	[tilespmem:s26], [sflag:$0x5] =	stream.linear.gather [spmem:s31], $0x80, $0x38;
	[tilespmem:$0x1CF00] =	vst v63  }
0x103: {  	s29 =	simm.s32 $0x1AA00  }
0x104: {  	[tilespmem:s29], [sflag:$0x5] =	stream.linear.gather [spmem:s0], $0x80, $0x38;
	[tilespmem:$0x1CF00] =	vst v63  }
0x105: {  	s26 =	rddreg [dreg:$0x16];
	s29 =	simm.s32 $0x19E80  }
0x106: {  	[tilespmem:s29], [sflag:$0x5] =	stream.linear.gather [spmem:s26], $0x80, $0x38;
	[tilespmem:$0x1CF00] =	vst v63  }
0x107: {  	s29 =	simm.s32 $0x1A280  }
0x108: {  	[tilespmem:s29], [sflag:$0x5] =	stream.linear.gather [spmem:s1], $0x80, $0x38;
	[tilespmem:$0x1CF00] =	vst v63  }
0x109: {  	s26 =	simm.s32 $0x1A680  }
0x10a: {  	[tilespmem:s26], [sflag:$0x5] =	stream.linear.gather [spmem:s4], $0x80, $0x38;
	[tilespmem:$0x1CF00] =	vst v63  }
0x10b: {  	s29 =	simm.s32 $0x1AA80  }
0x10c: {  	[tilespmem:s29], [sflag:$0x5] =	stream.linear.gather [spmem:s6], $0x80, $0x38;
	[tilespmem:$0x1CF00] =	vst v63  }
0x10d: {  	s26 =	rddreg [dreg:$0x18];
	s29 =	simm.s32 $0x19F00  }
0x10e: {  	[tilespmem:s29], [sflag:$0x5] =	stream.linear.gather [spmem:s26], $0x80, $0x38;
	[tilespmem:$0x1CF00] =	vst v63  }
0x10f: {  	s29 =	simm.s32 $0x1A300  }
0x110: {  	[tilespmem:s29], [sflag:$0x5] =	stream.linear.gather [spmem:s7], $0x80, $0x38;
	[tilespmem:$0x1CF00] =	vst v63  }
0x111: {  	s26 =	simm.s32 $0x1A700  }
0x112: {  	[tilespmem:s26], [sflag:$0x5] =	stream.linear.gather [spmem:s8], $0x80, $0x38;
	[tilespmem:$0x1CF00] =	vst v63  }
0x113: {  	s29 =	simm.s32 $0x1AB00  }
0x114: {  	[tilespmem:s29], [sflag:$0x5] =	stream.linear.gather [spmem:s3], $0x80, $0x38;
	[tilespmem:$0x1CF00] =	vst v63  }
0x115: {  	s26 =	rddreg [dreg:$0x19];
	s29 =	simm.s32 $0x19F80  }
0x116: {  	[tilespmem:s29], [sflag:$0x5] =	stream.linear.gather [spmem:s26], $0x80, $0x38;
	[tilespmem:$0x1CF00] =	vst v63  }
0x117: {  	s29 =	simm.s32 $0x1A380  }
0x118: {  	[tilespmem:s29], [sflag:$0x5] =	stream.linear.gather [spmem:s10], $0x80, $0x38;
	[tilespmem:$0x1CF00] =	vst v63  }
0x119: {  	s26 =	simm.s32 $0x1A780  }
0x11a: {  	[tilespmem:s26], [sflag:$0x5] =	stream.linear.gather [spmem:s11], $0x80, $0x38;
	[tilespmem:$0x1CF00] =	vst v63  }
0x11b: {  	s29 =	simm.s32 $0x1AB80  }
0x11c: {  	[tilespmem:s29], [sflag:$0x5] =	stream.linear.gather [spmem:s12], $0x80, $0x38;
	[tilespmem:$0x1CF00] =	vst v63  }
0x11d: {  	s26 =	rddreg [dreg:$0x1a];
	s29 =	simm.s32 $0x1A000  }
0x11e: {  	[tilespmem:s29], [sflag:$0x5] =	stream.linear.gather [spmem:s26], $0x80, $0x38;
	[tilespmem:$0x1CF00] =	vst v63  }
0x11f: {  	s29 =	simm.s32 $0x1A400  }
0x120: {  	[tilespmem:s29], [sflag:$0x5] =	stream.linear.gather [spmem:s13], $0x80, $0x38;
	[tilespmem:$0x1CF00] =	vst v63  }
0x121: {  	s26 =	simm.s32 $0x1A800  }
0x122: {  	[tilespmem:s26], [sflag:$0x5] =	stream.linear.gather [spmem:s14], $0x80, $0x38;
	[tilespmem:$0x1CF00] =	vst v63  }
0x123: {  	s29 =	simm.s32 $0x1AC00  }
0x124: {  	[tilespmem:s29], [sflag:$0x5] =	stream.linear.gather [spmem:s15], $0x80, $0x38;
	[tilespmem:$0x1CF00] =	vst v63  }
0x125: {  	s26 =	rddreg [dreg:$0x1b];
	s29 =	simm.s32 $0x1A080  }
0x126: {  	[tilespmem:s29], [sflag:$0x5] =	stream.linear.gather [spmem:s26], $0x80, $0x38;
	[tilespmem:$0x1CF00] =	vst v63  }
0x127: {  	s29 =	simm.s32 $0x1A480  }
0x128: {  	[tilespmem:s29], [sflag:$0x5] =	stream.linear.gather [spmem:s5], $0x80, $0x38;
	[tilespmem:$0x1CF00] =	vst v63  }
0x129: {  	s26 =	simm.s32 $0x1A880  }
0x12a: {  	[tilespmem:s26], [sflag:$0x5] =	stream.linear.gather [spmem:s16], $0x80, $0x38;
	[tilespmem:$0x1CF00] =	vst v63  }
0x12b: {  	s29 =	simm.s32 $0x1AC80  }
0x12c: {  	[tilespmem:s29], [sflag:$0x5] =	stream.linear.gather [spmem:s17], $0x80, $0x38;
	[tilespmem:$0x1CF00] =	vst v63  }
0x12d: {  	_ =	swait.ge [sflag:s22], $0x200  }
0x12e: {  	[sflag:s22] =	ssyncset.done $0x0  }
0x12f: {  	[sflag:s22] =	ssyncadd.s32 $0xFFFFFE00  }
0x130: {  	_ =	swait.ge [sflag:s22], $0x200  }
0x131: {  	[sflag:s22] =	ssyncset.done $0x0  }
0x132: {  	[sflag:s22] =	ssyncadd.s32 $0xFFFFFE00  }
0x133: {  	_ =	swait.ge [sflag:s22], $0x200  }
0x134: {  	[sflag:s22] =	ssyncset.done $0x0  }
0x135: {  	[sflag:s22] =	ssyncadd.s32 $0xFFFFFE00  }
0x136: {  	_ =	swait.ge [sflag:s22], $0x200  }
0x137: {  	[sflag:s22] =	ssyncset.done $0x0  }
0x138: {  	[sflag:s22] =	ssyncadd.s32 $0xFFFFFE00  }
0x139: {  	_ =	swait.ge [sflag:s22], $0x200  }
0x13a: {  	[sflag:s22] =	ssyncset.done $0x0  }
0x13b: {  	[sflag:s22] =	ssyncadd.s32 $0xFFFFFE00  }
0x13c: {  	_ =	swait.ge [sflag:s22], $0x200  }
0x13d: {  	[sflag:s22] =	ssyncset.done $0x0  }
0x13e: {  	[sflag:s22] =	ssyncadd.s32 $0xFFFFFE00  }
0x13f: {  	_ =	swait.ge [sflag:s22], $0x200  }
0x140: {  	[sflag:s22] =	ssyncset.done $0x0  }
0x141: {  	[sflag:s22] =	ssyncadd.s32 $0xFFFFFE00  }
0x142: {  	_ =	swait.ge [sflag:s22], $0x200  }
0x143: {  	[sflag:s22] =	ssyncset.done $0x0  }
0x144: {  	[sflag:s22] =	ssyncadd.s32 $0xFFFFFE00  }
0x145: {  	_ =	swait.ge [sflag:s22], $0x200  }
0x146: {  	[sflag:s22] =	ssyncset.done $0x0  }
0x147: {  	[sflag:s22] =	ssyncadd.s32 $0xFFFFFE00  }
0x148: {  	_ =	swait.ge [sflag:s22], $0x200  }
0x149: {  	[sflag:s22] =	ssyncset.done $0x0  }
0x14a: {  	[sflag:s22] =	ssyncadd.s32 $0xFFFFFE00  }
0x14b: {  	_ =	swait.ge [sflag:s22], $0x200  }
0x14c: {  	[sflag:s22] =	ssyncset.done $0x0  }
0x14d: {  	[sflag:s22] =	ssyncadd.s32 $0xFFFFFE00  }
0x14e: {  	_ =	swait.ge [sflag:s22], $0x200  }
0x14f: {  	[sflag:s22] =	ssyncset.done $0x0  }
0x150: {  	[sflag:s22] =	ssyncadd.s32 $0xFFFFFE00  }
0x151: {  	_ =	swait.ge [sflag:s22], $0x200  }
0x152: {  	[sflag:s22] =	ssyncset.done $0x0  }
0x153: {  	[sflag:s22] =	ssyncadd.s32 $0xFFFFFE00  }
0x154: {  	_ =	swait.ge [sflag:s22], $0x200  }
0x155: {  	[sflag:s22] =	ssyncset.done $0x0  }
0x156: {  	[sflag:s22] =	ssyncadd.s32 $0xFFFFFE00  }
0x157: {  	_ =	swait.ge [sflag:s22], $0x200  }
0x158: {  	[sflag:s22] =	ssyncset.done $0x0  }
0x159: {  	[sflag:s22] =	ssyncadd.s32 $0xFFFFFE00  }
0x15a: {  	s26 =	sand.u32 $0x70, s24;
	s29 =	sand.u32 $0xC00, s24;
	_ =	swait.ge [sflag:s22], $0x200  }
0x15b: {  	s24 =	sor.u32 s26, s29;
	[sflag:s22] =	ssyncset.done $0x0  }
0x15c: {  	s25 =	sadd.s32 $0x18D00, s24;
	[sflag:s22] =	ssyncadd.s32 $0xFFFFFE00  }
0x15d: {  	v2 =	vld [tilespmem:s25+$0x80]  }
0x15e: {  	v3 =	vld [tilespmem:s24+$0x18D00];
	_ =	sdelay $0x1  }
0x15f: {  	v4 =	vld [tilespmem:s25+$0x100];
	_ =	sdelay $0x1  }
0x160: {  	v5 =	vld [tilespmem:s25+$0x180]  }
0x161: {  	v2 =	vadd.f32 v2, v3  }
0x162: {  	v3 =	vld [tilespmem:s25+$0x200]  }
0x163: {  	v2 =	vadd.f32 v4, v2  }
0x164: {  	v56 =	vld [tilespmem:s25+$0x280]  }
0x165: {  	v2 =	vadd.f32 v5, v2  }
0x166: {  	v57 =	vld [tilespmem:s25+$0x300]  }
0x167: {  	v2 =	vadd.f32 v3, v2  }
0x168: {  	v3 =	vld [tilespmem:s25+$0x380]  }
0x169: {  	v2 =	vadd.f32 v56, v2  }
0x16a: {  	v58 =	vld [tilespmem:s24+$0x19D00]  }
0x16b: {  	v2 =	vadd.f32 v57, v2  }
0x16c: {  	v59 =	vld [tilespmem:s24+$0x19D80]  }
0x16d: {  	v2 =	vadd.f32 v3, v2  }
0x16e: {  	v3 =	vld [tilespmem:s24+$0x19E00]  }
0x16f: {  	v2 =	vadd.f32 v58, v2  }
0x170: {  	v60 =	vld [tilespmem:s24+$0x19E80]  }
0x171: {  	v2 =	vadd.f32 v59, v2  }
0x172: {  	v61 =	vld [tilespmem:s24+$0x19F00]  }
0x173: {  	v2 =	vadd.f32 v3, v2  }
0x174: {  	v3 =	vld [tilespmem:s24+$0x19F80]  }
0x175: {  	v2 =	vadd.f32 v60, v2  }
0x176: {  	v62 =	vld [tilespmem:s24+$0x1A000]  }
0x177: {  	v2 =	vadd.f32 v61, v2  }
0x178: {  	v63 =	vld [tilespmem:s24+$0x1A080]  }
0x179: {  	v2 =	vadd.f32 v3, v2;
	_ =	sdelay $0x1  }
0x17a: {  	v2 =	vadd.f32 v62, v2  }
0x17b: {  	s26 =	simm.s32 $0x80;
	s25 =	simm.s32 $0x10  }
0x17c: {  	s28 =	sand.u32 $0xC00, s26;
	s29 =	sand.u32 $0x70, s25;
	v2 =	vadd.f32 v63, v2  }
0x17d: {  	s25 =	sor.u32 s29, s28;
	s28 =	simm.s32 $0x20;
	s24 =	simm.s32 $0x1AD00  }
.LBB2_8:
0x17e: {  	p1 =	sne.s32 s28, $0x1F0;
	s29 =	sadd.s32 $0x18D00, s25;
	[tilespmem:s24+$0x0] =	vst v2  }
0x17f: {  	v2 =	vld [tilespmem:s29+$0x80]  }
0x180: {  	v3 =	vld [tilespmem:s25+$0x18D00];
	_ =	sdelay $0x1  }
0x181: {  	v4 =	vld [tilespmem:s29+$0x100];
	_ =	sdelay $0x1  }
0x182: {  	v5 =	vld [tilespmem:s29+$0x180]  }
0x183: {  	v2 =	vadd.f32 v2, v3  }
0x184: {  	v3 =	vld [tilespmem:s29+$0x200]  }
0x185: {  	v2 =	vadd.f32 v4, v2  }
0x186: {  	v4 =	vld [tilespmem:s29+$0x280]  }
0x187: {  	v2 =	vadd.f32 v5, v2  }
0x188: {  	v5 =	vld [tilespmem:s29+$0x300]  }
0x189: {  	v2 =	vadd.f32 v3, v2  }
0x18a: {  	v3 =	vld [tilespmem:s29+$0x380]  }
0x18b: {  	v2 =	vadd.f32 v4, v2  }
0x18c: {  	v4 =	vld [tilespmem:s25+$0x19D00]  }
0x18d: {  	v2 =	vadd.f32 v5, v2  }
0x18e: {  	v5 =	vld [tilespmem:s25+$0x19D80]  }
0x18f: {  	v2 =	vadd.f32 v3, v2  }
0x190: {  	v3 =	vld [tilespmem:s25+$0x19E00]  }
0x191: {  	v2 =	vadd.f32 v4, v2  }
0x192: {  	v4 =	vld [tilespmem:s25+$0x19E80]  }
0x193: {  	v2 =	vadd.f32 v5, v2  }
0x194: {  	v5 =	vld [tilespmem:s25+$0x19F00]  }
0x195: {  	v2 =	vadd.f32 v3, v2  }
0x196: {  	v3 =	vld [tilespmem:s25+$0x19F80]  }
0x197: {  	v2 =	vadd.f32 v4, v2  }
0x198: {  	v4 =	vld [tilespmem:s25+$0x1A000]  }
0x199: {  	v2 =	vadd.f32 v5, v2  }
0x19a: {  	v5 =	vld [tilespmem:s25+$0x1A080]  }
0x19b: {  	v2 =	vadd.f32 v3, v2  }
.Ltmp3:
0x19c: {  	(pc) =	sbr.rel @p1 .LBB2_8-.Ltmp3, $4  }
0x19d: {  	v2 =	vadd.f32 v4, v2  }
0x19e: {  	s26 =	sadd.s32 $0x80, s26  }
0x19f: {  	s29 =	sand.u32 $0xC00, s26;
	s25 =	sand.u32 $0x70, s28;
	v2 =	vadd.f32 v5, v2  }
0x1a0: {  	s24 =	sadd.s32 $0x10, s24;
	s28 =	sadd.s32 $0x10, s28;
	s25 =	sor.u32 s25, s29  }
0x1a1: {  	s26 =	sadd.s32 $0x18D00, s25;
	[tilespmem:s24+$0x0] =	vst v2  }
0x1a2: {  	v2 =	vld [tilespmem:s26+$0x80]  }
0x1a3: {  	v3 =	vld [tilespmem:s25+$0x18D00];
	_ =	sdelay $0x1  }
0x1a4: {  	v4 =	vld [tilespmem:s26+$0x100];
	_ =	sdelay $0x1  }
0x1a5: {  	v5 =	vld [tilespmem:s26+$0x180]  }
0x1a6: {  	v2 =	vadd.f32 v2, v3  }
0x1a7: {  	v3 =	vld [tilespmem:s26+$0x200]  }
0x1a8: {  	v2 =	vadd.f32 v4, v2  }
0x1a9: {  	v56 =	vld [tilespmem:s26+$0x280]  }
0x1aa: {  	v2 =	vadd.f32 v5, v2  }
0x1ab: {  	v57 =	vld [tilespmem:s26+$0x300]  }
0x1ac: {  	v2 =	vadd.f32 v3, v2  }
0x1ad: {  	v3 =	vld [tilespmem:s26+$0x380]  }
0x1ae: {  	v2 =	vadd.f32 v56, v2  }
0x1af: {  	v58 =	vld [tilespmem:s25+$0x19D00]  }
0x1b0: {  	v2 =	vadd.f32 v57, v2  }
0x1b1: {  	v59 =	vld [tilespmem:s25+$0x19D80]  }
0x1b2: {  	v2 =	vadd.f32 v3, v2  }
0x1b3: {  	v3 =	vld [tilespmem:s25+$0x19E00]  }
0x1b4: {  	v2 =	vadd.f32 v58, v2  }
0x1b5: {  	v60 =	vld [tilespmem:s25+$0x19E80]  }
0x1b6: {  	v2 =	vadd.f32 v59, v2  }
0x1b7: {  	v61 =	vld [tilespmem:s25+$0x19F00]  }
0x1b8: {  	v2 =	vadd.f32 v3, v2  }
0x1b9: {  	v3 =	vld [tilespmem:s25+$0x19F80]  }
0x1ba: {  	v2 =	vadd.f32 v60, v2  }
0x1bb: {  	v62 =	vld [tilespmem:s25+$0x1A000]  }
0x1bc: {  	v2 =	vadd.f32 v61, v2  }
0x1bd: {  	v63 =	vld [tilespmem:s25+$0x1A080]  }
0x1be: {  	v2 =	vadd.f32 v3, v2;
	_ =	sdelay $0x1  }
0x1bf: {  	v2 =	vadd.f32 v62, v2;
	_ =	sdelay $0x1  }
0x1c0: {  	v2 =	vadd.f32 v63, v2  }
0x1c1: {  	s25 =	sadd.s32 $0x10, s24  }
0x1c2: {  	s28 =	simm.s32 $0x1AD00;
	s26 =	rddreg [dreg:$0x15];
	[tilespmem:s25+$0x0] =	vst v2  }
0x1c3: {  	[hbm4b:s26+s2] =	stream.linear.scatter [tilespmem:s28], [sflag:$0x6], $0x200, $0x38;
	[tilespmem:$0x1CF00] =	vst v63  }
0x1c4: {  	_ =	swait.ge [sflag:s21], $0x200  }
0x1c5: {  	s23 =	sadd.s32 $0x1, s23;
	s29 =	rddreg [dreg:$0x17]  }
0x1c6: {  	p1 =	sne.s32 s23, s29  }
.Ltmp4:
0x1c7: {  	_ = 	snop;
	(pc) =	sbr.rel @p1 .LBB2_1-.Ltmp4, $3  }
0x1c8: {  	_ =	sdelay $0x1  }
0x1c9: {  	[sflag:s21] =	ssyncset.done $0x0  }
0x1ca: {  	[sflag:s21] =	ssyncadd.s32 $0xFFFFFE00  }
0x1cb: {  	_ =	sfence.sel $0x180000  }
0x1cc: {  	[bflag:$0x0] =	sbarrier.arrive $0xFFFF  }
0x1cd: {  	_ =	strace $0x90000047  }
0x1ce: {  	s0 =	stileid.u32;
	[bflag:$0x2] =	sbarrier.arrive $0xFFFF  }
0x1cf: {  	p0 =	sne.s32 s0, $0x0;
	s0 =	rddreg [dreg:$0x3]  }
0x1d0: {  	s0 =	sadd.s32 @!p0 $0x100000, s0  }
0x1d1: {  	[sflag:s0] =	ssyncadd.tile.s32 @!p0 $0x1;
	_ =	shalt  }
.Lfunc_end2:
_tile_overlayer_lowered:
.L_overlay_start_2:
0x1d2: {  	(tag) =	ssettag $0x2  }
0x1d3: {  	s0 =	rddreg [dreg:$0x0];
	s2 =	stileid.u32  }
0x1d4: {  	s1 =	rddreg [dreg:$0x1];
	p0 =	sne.s32 s2, $0x0  }
0x1d5: {  	s3 =	rddreg [dreg:$0x2];
	[bflag:$0x3] =	sbarrier.arrive $0xFFFF;
	s2 =	simm.s32 @!p0 $0x1C06  }
0x1d6: {  	[timem:s3], [sflag:s2] =	dma.local @!p0 [hbm:s0], s1  }
0x1d7: {  	s0 =	simm.s32 @!p0 $0x6  }
0x1d8: {  	_ =	swait.ge @!p0 [sflag:s0], s1  }
0x1d9: {  	s1 =	ssub.s32 @!p0 $0x0, s1;
	[sflag:s0] =	ssyncset.done @!p0 $0x0  }
0x1da: {  	[sflag:s0] =	ssyncadd.s32 @!p0 s1  }
0x1db: {  	[bflag:$0x3] =	sbarrier.arrive $0xFFFF  }
0x1dc: {  	_ =	shalt  }

</sc_bundles>
